<compile_context>
chip_gen: v7x
topology: tpu7x:2x2x1
jax: 0.10.2.dev20260603
libtpu: 0.0.44.dev20260713+nightly
codegen_flags: <defaults>
</compile_context>

<pallas_src>
import functools

import jax
import jax.numpy as jnp
from jax import lax
from jax.experimental import pallas as pl
from jax.experimental.pallas import tpu as pltpu
from jax.experimental.pallas import tpu_sc as plsc

_B, _S, _N = 8, 1024, 32
_HID = 128
_L = 16
_NC, _NS = 2, 16
_NW = _NC * _NS
_NRG = 16
_HCOL = _HID // 2
_GROWS = _B * _S // _NRG
_GSLOTS = _GROWS * _N
_TROWS = 9 * 1024
_LT_ROWS = _S + 2

_GDN = lax.GatherDimensionNumbers(
    offset_dims=(), collapsed_slice_dims=(0,), start_index_map=(0,))


def _take16(vec, idx):
    return lax.gather(vec, idx[:, None], dimension_numbers=_GDN,
                      slice_sizes=(1,),
                      mode=lax.GatherScatterMode.PROMISE_IN_BOUNDS)


def _build_table(h, ptail, pt0, Wn, idx2d, msk2d):

    def body(h_ref, ptail_ref, pt0_ref, wn_ref, idx_ref, msk_ref,
             tbl_ref, gidx_ref):
        ws = wn_ref[...] * (1.0 / _N)
        t = (h_ref[...] + ptail_ref[...][None]).reshape(_B * _S, _HID)
        rows = lax.broadcasted_iota(jnp.int32, (_S, _HID), 0)
        special = jnp.where(rows == 0, pt0_ref[...], 0.0)
        full = jnp.concatenate([t, special], axis=0)
        res = lax.dot_general(full, ws, (((1,), (1,)), ((), ())),
                              preferred_element_type=jnp.float32)
        tbl_ref[0] = res[:, :_HCOL]
        tbl_ref[1] = res[:, _HCOL:]
        v = idx_ref[...]
        gidx_ref[...] = jnp.where(msk_ref[...],
                                  jnp.where(v == 0, _S, v - 1),
                                  _S + 1)

    return pl.pallas_call(
        body,
        out_shape=(
            jax.ShapeDtypeStruct((2, _TROWS, _HCOL), jnp.float32),
            jax.ShapeDtypeStruct((_B * _S * _N // _HID, _HID), jnp.int32),
        ),
    )(h, ptail, pt0, Wn, idx2d, msk2d)


@functools.lru_cache(maxsize=1)
def _make_sc_gather():
    mesh = plsc.VectorSubcoreMesh(core_axis_name="c", subcore_axis_name="s")

    @functools.partial(
        pl.kernel,
        mesh=mesh,
        compiler_params=pltpu.CompilerParams(
            needs_layout_passes=False, use_tc_tiling_on_sc=False),
        out_type=jax.ShapeDtypeStruct((2, _B * _S, _HCOL), jnp.float32),
        scratch_types=[
            pltpu.VMEM((_LT_ROWS, _HCOL), jnp.float32),
            pltpu.VMEM((_GSLOTS,), jnp.int32),
            pltpu.VMEM((_GROWS, _HCOL), jnp.float32),
            pltpu.SemaphoreType.DMA,
            pltpu.SemaphoreType.DMA,
        ],
    )
    def sc_gather(t_hbm, gidx_hbm, out_hbm, ttile, idx_v, oacc, sem_t, sem_i):
        wid = lax.axis_index("s") * _NC + lax.axis_index("c")
        rg = wid % _NRG
        half = wid // _NRG
        b = rg // (_NRG // _B)
        sbase = rg * _GSLOTS

        pltpu.async_copy(t_hbm.at[half, pl.ds(b * _S, _S)],
                         ttile.at[pl.ds(0, _S)], sem_t)
        pltpu.async_copy(t_hbm.at[half, pl.ds(_B * _S, 2)],
                         ttile.at[pl.ds(_S, 2)], sem_t)
        pltpu.async_copy(gidx_hbm.at[pl.ds(sbase, _GSLOTS)], idx_v, sem_i)

        coffs = [jnp.arange(_L, dtype=jnp.int32) + c * _L
                 for c in range(_HCOL // _L)]
        lane_consts = [jnp.full((_L,), n, dtype=jnp.int32) for n in range(_L)]
        zero = jnp.zeros((_L,), jnp.float32)

        pltpu.make_async_copy(gidx_hbm.at[pl.ds(sbase, _GSLOTS)], idx_v,
                              sem_i).wait()
        pltpu.make_async_copy(
            t_hbm.at[half, pl.ds(0, _LT_ROWS)], ttile, sem_t).wait()

        def row_body(s, _):
            accs = [zero for _ in range(_HCOL // _L)]
            for hblk in range(2):
                iv = idx_v[pl.ds(s * _N + hblk * _L, _L)]
                for n in range(_L):
                    spl = _take16(iv, lane_consts[n])
                    for c in range(_HCOL // _L):
                        val = plsc.load_gather(ttile, [spl, coffs[c]])
                        accs[c] = accs[c] + val
            for c in range(_HCOL // _L):
                oacc[s, pl.ds(c * _L, _L)] = accs[c]
            return 0

        lax.fori_loop(0, _GROWS, row_body, 0)
        pltpu.sync_copy(oacc, out_hbm.at[half, pl.ds(rg * _GROWS, _GROWS)])

    return sc_gather


def kernel(x, h, g, neighbor_index, neighbor_mask, Wn, pos_table):
    del x, g
    idx2d = neighbor_index.astype(jnp.int32).reshape(_B * _S * _N // _HID,
                                                     _HID)
    msk2d = neighbor_mask.reshape(_B * _S * _N // _HID, _HID)
    table, gidx = _build_table(h, pos_table[1:], pos_table[0:1], Wn,
                               idx2d, msk2d)
    halves = _make_sc_gather()(table, gidx.reshape(-1))
    return jnp.concatenate([halves[0], halves[1]], axis=-1).reshape(
        _B, _S, _HID)

# --- scband reference (transcript-rebuilt; emitter-appended) ---
"""Pipeline reference for scband-neighbor-mean-27367531610427 (READ-ONLY COPY).

The authoritative reference and input builder live on the scoring server;
editing this copy changes nothing except your own understanding.
"""

import jax, jax.numpy as jnp
import numpy as np

B, S, N = 8, 1024, 32
HID = 128
EMB = 300
VOCAB_POS = S + 1  # position-encoding table rows (index 0 = padding row of new_h)


def setup_inputs(seed: int = 0) -> dict:
    key = jax.random.key(seed)
    k1, k2, k3, k4, k5, k6, k7 = jax.random.split(key, 7)
    x = jax.random.normal(k1, (B, S, EMB), dtype=jnp.float32)
    h = jax.random.normal(k2, (B, S, HID), dtype=jnp.float32)
    g = jax.random.normal(k3, (B, HID), dtype=jnp.float32)
    neighbor_index = jax.random.randint(k4, (B, S, N), 0, VOCAB_POS, dtype=jnp.int64)
    neighbor_mask = jax.random.randint(k5, (B, S, N), 0, 2, dtype=jnp.int32).astype(jnp.bool_)
    # learned params
    Wn = jax.random.normal(k6, (HID, HID), dtype=jnp.float32) / np.sqrt(HID)  # nn.Linear weight [out, in]
    pos_table = jax.random.normal(k7, (VOCAB_POS, HID), dtype=jnp.float32) * 0.02  # position_encoding embedding
    return {"x": x, "h": h, "g": g, "neighbor_index": neighbor_index,
            "neighbor_mask": neighbor_mask, "Wn": Wn, "pos_table": pos_table}


def reference(x, h, g, neighbor_index, neighbor_mask, Wn, pos_table):
    # Faithful translation of Neighbor_Mean.forward (rp_neighbor_index=None path).
    b, s, n = neighbor_index.shape
    # pos_emb = self.position_encoding(neighbor_index.long())
    pos_emb = jnp.take(pos_table, neighbor_index, axis=0)  # [B, S, N, HID]
    # new_h = cat([zeros_like(g).unsqueeze(1), h], dim=1)  -> [B, S+1, HID]
    new_h = jnp.concatenate([jnp.zeros_like(g)[:, None, :], h], axis=1)
    # batched gather: new_h[ind, neighbor_index]
    ni = neighbor_index.reshape(b, s * n)  # [B, S*N]
    gathered = jnp.take_along_axis(new_h, ni[:, :, None], axis=1)  # [B, S*N, HID]
    new_h_g = gathered.reshape(b, s, n, -1) + pos_emb  # [B, S, N, HID]
    # neighbors = Wn(new_h) * mask.float().unsqueeze(-1)   (Linear has no bias)
    neighbors = jnp.matmul(new_h_g, Wn.T) * neighbor_mask.astype(jnp.float32)[..., None]
    # hn = mean over the neighbor axis (divides by N, masked entries included, as in torch)
    hn = jnp.mean(neighbors, axis=2)  # [B, S, HID]
    return hn

if __name__ == "__main__":
    import jax
    _d = setup_inputs()
    print(jax.jit(kernel)(*tuple(_d.values())))

</pallas_src>

<mosaic_0001>
#map = affine_map<(d0, d1) -> (0, 0, 0)>
#map1 = affine_map<(d0, d1) -> (0)>
module attributes {stable_mosaic.version = 14 : i64} {
  func.func @sc_gather(%arg0: i32, %arg1: i32, %arg2: memref<2x9216x64xf32, #tpu.memory_space<hbm>>, %arg3: memref<262144xi32, #tpu.memory_space<hbm>>, %arg4: memref<2x8192x64xf32, #tpu.memory_space<hbm>>, %arg5: memref<1026x64xf32, #tpu.memory_space<vmem>>, %arg6: memref<16384xi32, #tpu.memory_space<vmem>>, %arg7: memref<512x64xf32, #tpu.memory_space<vmem>>, %arg8: memref<!tpu.dma_semaphore, #tpu.memory_space<semaphore_mem>>, %arg9: memref<!tpu.dma_semaphore, #tpu.memory_space<semaphore_mem>>) attributes {dimension_semantics = [#tpu.dimension_semantics<core_parallel>, #tpu.dimension_semantics<subcore_parallel>], iteration_bounds = array<i64: 2, 16>, scalar_prefetch = 0 : i64, scratch_operands = 5 : i64, tpu.core_type = #tpu.core_type<sc_vector_subcore>, window_params = [{transform_indices = #map}, {transform_indices = #map1}, {transform_indices = #map}]} {
    %mul3A = arith.constant 2 : i32
    %mul3A_0 = arith.muli %arg1, %mul3A : i32
    %add3A = arith.addi %mul3A_0, %arg0 : i32
    %jit3A = arith.constant 16 : i32
    %eq3A = arith.constant 0 : i32
    %eq3A_1 = arith.cmpi eq, %jit3A, %eq3A : i32
    %jit3A_2 = arith.constant 1 : i32
    %select_n3A = arith.select %eq3A_1, %jit3A_2, %jit3A : i32
    %rem3A = arith.remsi %add3A, %select_n3A : i32
    %ne3A = arith.constant 0 : i32
    %ne3A_3 = arith.cmpi ne, %rem3A, %ne3A : i32
    %lt3A = arith.constant 0 : i32
    %lt3A_4 = arith.cmpi slt, %rem3A, %lt3A : i32
    %lt3A_5 = arith.constant 0 : i32
    %lt3A_6 = arith.cmpi slt, %select_n3A, %lt3A_5 : i32
    %ne3A_7 = arith.xori %lt3A_4, %lt3A_6 : i1
    %and3A = arith.andi %ne3A_7, %ne3A_3 : i1
    %add3A_8 = arith.addi %rem3A, %select_n3A : i32
    %select_n3A_9 = arith.select %and3A, %add3A_8, %rem3A : i32
    %jit3A_10 = arith.constant 16 : i32
    %div3A = arith.divsi %add3A, %jit3A_10 : i32
    %sign3A = arith.constant 0 : i32
    %sign3A_11 = arith.cmpi sgt, %add3A, %sign3A : i32
    %sign3A_12 = arith.extui %sign3A_11 : i1 to i32
    %sign3A_13 = arith.constant 0 : i32
    %sign3A_14 = arith.cmpi slt, %add3A, %sign3A_13 : i32
    %sign3A_15 = arith.extui %sign3A_14 : i1 to i32
    %sign3A_16 = arith.subi %sign3A_12, %sign3A_15 : i32
    %sign3A_17 = arith.constant 0 : i32
    %sign3A_18 = arith.cmpi sgt, %jit3A_10, %sign3A_17 : i32
    %sign3A_19 = arith.extui %sign3A_18 : i1 to i32
    %sign3A_20 = arith.constant 0 : i32
    %sign3A_21 = arith.cmpi slt, %jit3A_10, %sign3A_20 : i32
    %sign3A_22 = arith.extui %sign3A_21 : i1 to i32
    %sign3A_23 = arith.subi %sign3A_19, %sign3A_22 : i32
    %ne3A_24 = arith.cmpi ne, %sign3A_16, %sign3A_23 : i32
    %rem3A_25 = arith.remsi %add3A, %jit3A_10 : i32
    %ne3A_26 = arith.constant 0 : i32
    %ne3A_27 = arith.cmpi ne, %rem3A_25, %ne3A_26 : i32
    %and3A_28 = arith.andi %ne3A_24, %ne3A_27 : i1
    %sub3A = arith.constant 1 : i32
    %sub3A_29 = arith.subi %div3A, %sub3A : i32
    %select_n3A_30 = arith.select %and3A_28, %sub3A_29, %div3A : i32
    %jit3A_31 = arith.constant 2 : i32
    %div3A_32 = arith.divsi %select_n3A_9, %jit3A_31 : i32
    %sign3A_33 = arith.constant 0 : i32
    %sign3A_34 = arith.cmpi sgt, %select_n3A_9, %sign3A_33 : i32
    %sign3A_35 = arith.extui %sign3A_34 : i1 to i32
    %sign3A_36 = arith.constant 0 : i32
    %sign3A_37 = arith.cmpi slt, %select_n3A_9, %sign3A_36 : i32
    %sign3A_38 = arith.extui %sign3A_37 : i1 to i32
    %sign3A_39 = arith.subi %sign3A_35, %sign3A_38 : i32
    %sign3A_40 = arith.constant 0 : i32
    %sign3A_41 = arith.cmpi sgt, %jit3A_31, %sign3A_40 : i32
    %sign3A_42 = arith.extui %sign3A_41 : i1 to i32
    %sign3A_43 = arith.constant 0 : i32
    %sign3A_44 = arith.cmpi slt, %jit3A_31, %sign3A_43 : i32
    %sign3A_45 = arith.extui %sign3A_44 : i1 to i32
    %sign3A_46 = arith.subi %sign3A_42, %sign3A_45 : i32
    %ne3A_47 = arith.cmpi ne, %sign3A_39, %sign3A_46 : i32
    %rem3A_48 = arith.remsi %select_n3A_9, %jit3A_31 : i32
    %ne3A_49 = arith.constant 0 : i32
    %ne3A_50 = arith.cmpi ne, %rem3A_48, %ne3A_49 : i32
    %and3A_51 = arith.andi %ne3A_47, %ne3A_50 : i1
    %sub3A_52 = arith.constant 1 : i32
    %sub3A_53 = arith.subi %div3A_32, %sub3A_52 : i32
    %select_n3A_54 = arith.select %and3A_51, %sub3A_53, %div3A_32 : i32
    %mul3A_55 = arith.constant 16384 : i32
    %mul3A_56 = arith.muli %select_n3A_9, %mul3A_55 : i32
    %mul3A_57 = arith.constant 1024 : i32
    %mul3A_58 = arith.muli %select_n3A_54, %mul3A_57 : i32
    %dma_start3A = arith.constant 0 : i32
    %dma_start3A_59 = arith.constant 0 : i32
    %dma_start3A_60 = tpu.memref_slice %arg5[%dma_start3A, %dma_start3A_59] : memref<1026x64xf32, #tpu.memory_space<vmem>> -> memref<1024x64xf32, #tpu.memory_space<vmem>>
    %dma_start3A_61 = arith.constant 0 : i32
    %dma_start3A_62 = tpu.memref_slice %arg2[%select_n3A_30, %mul3A_58, %dma_start3A_61] : memref<2x9216x64xf32, #tpu.memory_space<hbm>> -> memref<1x1024x64xf32, #tpu.memory_space<hbm>>
    %dma_start3A_63 = tpu.memref_squeeze %dma_start3A_62 : memref<1x1024x64xf32, #tpu.memory_space<hbm>> -> memref<1024x64xf32, #tpu.memory_space<hbm>>
    %dma_start3A_64 = arith.constant 0 : i32
    %dma_start3A_65 = arith.constant 0 : i32
    %dma_start3A_66 = tpu.memref_slice %arg5[%dma_start3A_64, %dma_start3A_65] : memref<1026x64xf32, #tpu.memory_space<vmem>> -> memref<1024x64xf32, #tpu.memory_space<vmem>>
    %dma_start3A_67 = arith.constant 0 : i32
    %dma_start3A_68 = tpu.memref_slice %arg2[%select_n3A_30, %mul3A_58, %dma_start3A_67] : memref<2x9216x64xf32, #tpu.memory_space<hbm>> -> memref<1x1024x64xf32, #tpu.memory_space<hbm>>
    %dma_start3A_69 = tpu.memref_squeeze %dma_start3A_68 : memref<1x1024x64xf32, #tpu.memory_space<hbm>> -> memref<1024x64xf32, #tpu.memory_space<hbm>>
    tpu.enqueue_dma source(%dma_start3A_69 : memref<1024x64xf32, #tpu.memory_space<hbm>>) target(%dma_start3A_66 : memref<1024x64xf32, #tpu.memory_space<vmem>>) target_semaphore(%arg8 : memref<!tpu.dma_semaphore, #tpu.memory_space<semaphore_mem>>)
    %dma_start3A_70 = arith.constant 1024 : i32
    %dma_start3A_71 = arith.constant 0 : i32
    %dma_start3A_72 = tpu.memref_slice %arg5[%dma_start3A_70, %dma_start3A_71] : memref<1026x64xf32, #tpu.memory_space<vmem>> -> memref<2x64xf32, #tpu.memory_space<vmem>>
    %dma_start3A_73 = arith.constant 8192 : i32
    %dma_start3A_74 = arith.constant 0 : i32
    %dma_start3A_75 = tpu.memref_slice %arg2[%select_n3A_30, %dma_start3A_73, %dma_start3A_74] : memref<2x9216x64xf32, #tpu.memory_space<hbm>> -> memref<1x2x64xf32, #tpu.memory_space<hbm>>
    %dma_start3A_76 = tpu.memref_squeeze %dma_start3A_75 : memref<1x2x64xf32, #tpu.memory_space<hbm>> -> memref<2x64xf32, #tpu.memory_space<hbm>>
    %dma_start3A_77 = arith.constant 1024 : i32
    %dma_start3A_78 = arith.constant 0 : i32
    %dma_start3A_79 = tpu.memref_slice %arg5[%dma_start3A_77, %dma_start3A_78] : memref<1026x64xf32, #tpu.memory_space<vmem>> -> memref<2x64xf32, #tpu.memory_space<vmem>>
    %dma_start3A_80 = arith.constant 8192 : i32
    %dma_start3A_81 = arith.constant 0 : i32
    %dma_start3A_82 = tpu.memref_slice %arg2[%select_n3A_30, %dma_start3A_80, %dma_start3A_81] : memref<2x9216x64xf32, #tpu.memory_space<hbm>> -> memref<1x2x64xf32, #tpu.memory_space<hbm>>
    %dma_start3A_83 = tpu.memref_squeeze %dma_start3A_82 : memref<1x2x64xf32, #tpu.memory_space<hbm>> -> memref<2x64xf32, #tpu.memory_space<hbm>>
    tpu.enqueue_dma source(%dma_start3A_83 : memref<2x64xf32, #tpu.memory_space<hbm>>) target(%dma_start3A_79 : memref<2x64xf32, #tpu.memory_space<vmem>>) target_semaphore(%arg8 : memref<!tpu.dma_semaphore, #tpu.memory_space<semaphore_mem>>)
    %dma_start3A_84 = tpu.memref_slice %arg3[%mul3A_56] : memref<262144xi32, #tpu.memory_space<hbm>> -> memref<16384xi32, #tpu.memory_space<hbm>>
    %dma_start3A_85 = tpu.memref_slice %arg3[%mul3A_56] : memref<262144xi32, #tpu.memory_space<hbm>> -> memref<16384xi32, #tpu.memory_space<hbm>>
    tpu.enqueue_dma source(%dma_start3A_85 : memref<16384xi32, #tpu.memory_space<hbm>>) target(%arg6 : memref<16384xi32, #tpu.memory_space<vmem>>) target_semaphore(%arg9 : memref<!tpu.dma_semaphore, #tpu.memory_space<semaphore_mem>>)
    %iota3A = tpu.iota {dimensions = array<i32: 0>} : vector<16xi32>
    %add3A_86 = arith.constant 0 : i32
    %add3A_87 = vector.broadcast %add3A_86 : i32 to vector<16xi32>
    %add3A_88 = arith.addi %iota3A, %add3A_87 : vector<16xi32>
    %iota3A_89 = tpu.iota {dimensions = array<i32: 0>} : vector<16xi32>
    %add3A_90 = arith.constant 16 : i32
    %add3A_91 = vector.broadcast %add3A_90 : i32 to vector<16xi32>
    %add3A_92 = arith.addi %iota3A_89, %add3A_91 : vector<16xi32>
    %iota3A_93 = tpu.iota {dimensions = array<i32: 0>} : vector<16xi32>
    %add3A_94 = arith.constant 32 : i32
    %add3A_95 = vector.broadcast %add3A_94 : i32 to vector<16xi32>
    %add3A_96 = arith.addi %iota3A_93, %add3A_95 : vector<16xi32>
    %iota3A_97 = tpu.iota {dimensions = array<i32: 0>} : vector<16xi32>
    %add3A_98 = arith.constant 48 : i32
    %add3A_99 = vector.broadcast %add3A_98 : i32 to vector<16xi32>
    %add3A_100 = arith.addi %iota3A_97, %add3A_99 : vector<16xi32>
    %broadcast_in_dim3A = arith.constant 0 : i32
    %broadcast_in_dim3A_101 = vector.broadcast %broadcast_in_dim3A : i32 to vector<16xi32>
    %broadcast_in_dim3A_102 = arith.constant 1 : i32
    %broadcast_in_dim3A_103 = vector.broadcast %broadcast_in_dim3A_102 : i32 to vector<16xi32>
    %broadcast_in_dim3A_104 = arith.constant 2 : i32
    %broadcast_in_dim3A_105 = vector.broadcast %broadcast_in_dim3A_104 : i32 to vector<16xi32>
    %broadcast_in_dim3A_106 = arith.constant 3 : i32
    %broadcast_in_dim3A_107 = vector.broadcast %broadcast_in_dim3A_106 : i32 to vector<16xi32>
    %broadcast_in_dim3A_108 = arith.constant 4 : i32
    %broadcast_in_dim3A_109 = vector.broadcast %broadcast_in_dim3A_108 : i32 to vector<16xi32>
    %broadcast_in_dim3A_110 = arith.constant 5 : i32
    %broadcast_in_dim3A_111 = vector.broadcast %broadcast_in_dim3A_110 : i32 to vector<16xi32>
    %broadcast_in_dim3A_112 = arith.constant 6 : i32
    %broadcast_in_dim3A_113 = vector.broadcast %broadcast_in_dim3A_112 : i32 to vector<16xi32>
    %broadcast_in_dim3A_114 = arith.constant 7 : i32
    %broadcast_in_dim3A_115 = vector.broadcast %broadcast_in_dim3A_114 : i32 to vector<16xi32>
    %broadcast_in_dim3A_116 = arith.constant 8 : i32
    %broadcast_in_dim3A_117 = vector.broadcast %broadcast_in_dim3A_116 : i32 to vector<16xi32>
    %broadcast_in_dim3A_118 = arith.constant 9 : i32
    %broadcast_in_dim3A_119 = vector.broadcast %broadcast_in_dim3A_118 : i32 to vector<16xi32>
    %broadcast_in_dim3A_120 = arith.constant 10 : i32
    %broadcast_in_dim3A_121 = vector.broadcast %broadcast_in_dim3A_120 : i32 to vector<16xi32>
    %broadcast_in_dim3A_122 = arith.constant 11 : i32
    %broadcast_in_dim3A_123 = vector.broadcast %broadcast_in_dim3A_122 : i32 to vector<16xi32>
    %broadcast_in_dim3A_124 = arith.constant 12 : i32
    %broadcast_in_dim3A_125 = vector.broadcast %broadcast_in_dim3A_124 : i32 to vector<16xi32>
    %broadcast_in_dim3A_126 = arith.constant 13 : i32
    %broadcast_in_dim3A_127 = vector.broadcast %broadcast_in_dim3A_126 : i32 to vector<16xi32>
    %broadcast_in_dim3A_128 = arith.constant 14 : i32
    %broadcast_in_dim3A_129 = vector.broadcast %broadcast_in_dim3A_128 : i32 to vector<16xi32>
    %broadcast_in_dim3A_130 = arith.constant 15 : i32
    %broadcast_in_dim3A_131 = vector.broadcast %broadcast_in_dim3A_130 : i32 to vector<16xi32>
    %broadcast_in_dim3A_132 = arith.constant 0.000000e+00 : f32
    %broadcast_in_dim3A_133 = vector.broadcast %broadcast_in_dim3A_132 : f32 to vector<16xf32>
    %dma_wait3A = tpu.memref_slice %arg3[%mul3A_56] : memref<262144xi32, #tpu.memory_space<hbm>> -> memref<16384xi32, #tpu.memory_space<hbm>>
    %dma_wait3A_134 = tpu.memref_slice %arg3[%mul3A_56] : memref<262144xi32, #tpu.memory_space<hbm>> -> memref<16384xi32, #tpu.memory_space<hbm>>
    tpu.wait_dma2 semaphore(%arg9 : memref<!tpu.dma_semaphore, #tpu.memory_space<semaphore_mem>>) src(%dma_wait3A_134 : memref<16384xi32, #tpu.memory_space<hbm>>) dst(%arg6 : memref<16384xi32, #tpu.memory_space<vmem>>)
    %dma_wait3A_135 = arith.constant 0 : i32
    %dma_wait3A_136 = arith.constant 0 : i32
    %dma_wait3A_137 = tpu.memref_slice %arg2[%select_n3A_30, %dma_wait3A_135, %dma_wait3A_136] : memref<2x9216x64xf32, #tpu.memory_space<hbm>> -> memref<1x1026x64xf32, #tpu.memory_space<hbm>>
    %dma_wait3A_138 = tpu.memref_squeeze %dma_wait3A_137 : memref<1x1026x64xf32, #tpu.memory_space<hbm>> -> memref<1026x64xf32, #tpu.memory_space<hbm>>
    %dma_wait3A_139 = arith.constant 0 : i32
    %dma_wait3A_140 = arith.constant 0 : i32
    %dma_wait3A_141 = tpu.memref_slice %arg2[%select_n3A_30, %dma_wait3A_139, %dma_wait3A_140] : memref<2x9216x64xf32, #tpu.memory_space<hbm>> -> memref<1x1026x64xf32, #tpu.memory_space<hbm>>
    %dma_wait3A_142 = tpu.memref_squeeze %dma_wait3A_141 : memref<1x1026x64xf32, #tpu.memory_space<hbm>> -> memref<1026x64xf32, #tpu.memory_space<hbm>>
    tpu.wait_dma2 semaphore(%arg8 : memref<!tpu.dma_semaphore, #tpu.memory_space<semaphore_mem>>) src(%dma_wait3A_142 : memref<1026x64xf32, #tpu.memory_space<hbm>>) dst(%arg5 : memref<1026x64xf32, #tpu.memory_space<vmem>>)
    %scan3A = arith.constant 0 : i32
    %scan3A_143 = arith.constant 0 : i32
    %scan3A_144 = arith.constant 512 : i32
    %scan3A_145 = arith.addi %scan3A_143, %scan3A_144 : i32
    %scan3A_146 = arith.constant 1 : i32
    %scan3A_147 = scf.for %scan3A_151 = %scan3A_143 to %scan3A_145 step %scan3A_146 iter_args(%scan3A_152 = %scan3A) -> (i32)  : i32 {
      %mul3A_153 = arith.constant 32 : i32
      %mul3A_154 = arith.muli %scan3A_151, %mul3A_153 : i32
      %add3A_155 = arith.constant 0 : i32
      %add3A_156 = arith.addi %mul3A_154, %add3A_155 : i32
      %get3A = arith.index_cast %add3A_156 : i32 to index
      %get3A_157 = tpu.vector_load %arg6[%get3A] {strides = array<i32>} : memref<16384xi32, #tpu.memory_space<vmem>>, vector<16xi32>,
      %broadcast_in_dim3A_158 = vector.shape_cast %broadcast_in_dim3A_101 : vector<16xi32> to vector<16x1xi32>
      %gather3A = vector.shape_cast %broadcast_in_dim3A_158 : vector<16x1xi32> to vector<16xi32>
      %gather3A_159 = tpu.dynamic_gather %get3A_157[%gather3A] in [0] : vector<16xi32>, vector<16xi32> -> vector<16xi32>
      %gather3A_160 = tpu.vector_load_idx %arg5[%gather3A_159, %add3A_88] : memref<1026x64xf32, #tpu.memory_space<vmem>>[vector<16xi32>, vector<16xi32>], vector<16xf32>,
      %add3A_161 = arith.addf %broadcast_in_dim3A_133, %gather3A_160 : vector<16xf32>
      %gather3A_162 = tpu.vector_load_idx %arg5[%gather3A_159, %add3A_92] : memref<1026x64xf32, #tpu.memory_space<vmem>>[vector<16xi32>, vector<16xi32>], vector<16xf32>,
      %add3A_163 = arith.addf %broadcast_in_dim3A_133, %gather3A_162 : vector<16xf32>
      %gather3A_164 = tpu.vector_load_idx %arg5[%gather3A_159, %add3A_96] : memref<1026x64xf32, #tpu.memory_space<vmem>>[vector<16xi32>, vector<16xi32>], vector<16xf32>,
      %add3A_165 = arith.addf %broadcast_in_dim3A_133, %gather3A_164 : vector<16xf32>
      %gather3A_166 = tpu.vector_load_idx %arg5[%gather3A_159, %add3A_100] : memref<1026x64xf32, #tpu.memory_space<vmem>>[vector<16xi32>, vector<16xi32>], vector<16xf32>,
      %add3A_167 = arith.addf %broadcast_in_dim3A_133, %gather3A_166 : vector<16xf32>
      %broadcast_in_dim3A_168 = vector.shape_cast %broadcast_in_dim3A_103 : vector<16xi32> to vector<16x1xi32>
      %gather3A_169 = vector.shape_cast %broadcast_in_dim3A_168 : vector<16x1xi32> to vector<16xi32>
      %gather3A_170 = tpu.dynamic_gather %get3A_157[%gather3A_169] in [0] : vector<16xi32>, vector<16xi32> -> vector<16xi32>
      %gather3A_171 = tpu.vector_load_idx %arg5[%gather3A_170, %add3A_88] : memref<1026x64xf32, #tpu.memory_space<vmem>>[vector<16xi32>, vector<16xi32>], vector<16xf32>,
      %add3A_172 = arith.addf %add3A_161, %gather3A_171 : vector<16xf32>
      %gather3A_173 = tpu.vector_load_idx %arg5[%gather3A_170, %add3A_92] : memref<1026x64xf32, #tpu.memory_space<vmem>>[vector<16xi32>, vector<16xi32>], vector<16xf32>,
      %add3A_174 = arith.addf %add3A_163, %gather3A_173 : vector<16xf32>
      %gather3A_175 = tpu.vector_load_idx %arg5[%gather3A_170, %add3A_96] : memref<1026x64xf32, #tpu.memory_space<vmem>>[vector<16xi32>, vector<16xi32>], vector<16xf32>,
      %add3A_176 = arith.addf %add3A_165, %gather3A_175 : vector<16xf32>
      %gather3A_177 = tpu.vector_load_idx %arg5[%gather3A_170, %add3A_100] : memref<1026x64xf32, #tpu.memory_space<vmem>>[vector<16xi32>, vector<16xi32>], vector<16xf32>,
      %add3A_178 = arith.addf %add3A_167, %gather3A_177 : vector<16xf32>
      %broadcast_in_dim3A_179 = vector.shape_cast %broadcast_in_dim3A_105 : vector<16xi32> to vector<16x1xi32>
      %gather3A_180 = vector.shape_cast %broadcast_in_dim3A_179 : vector<16x1xi32> to vector<16xi32>
      %gather3A_181 = tpu.dynamic_gather %get3A_157[%gather3A_180] in [0] : vector<16xi32>, vector<16xi32> -> vector<16xi32>
      %gather3A_182 = tpu.vector_load_idx %arg5[%gather3A_181, %add3A_88] : memref<1026x64xf32, #tpu.memory_space<vmem>>[vector<16xi32>, vector<16xi32>], vector<16xf32>,
      %add3A_183 = arith.addf %add3A_172, %gather3A_182 : vector<16xf32>
      %gather3A_184 = tpu.vector_load_idx %arg5[%gather3A_181, %add3A_92] : memref<1026x64xf32, #tpu.memory_space<vmem>>[vector<16xi32>, vector<16xi32>], vector<16xf32>,
      %add3A_185 = arith.addf %add3A_174, %gather3A_184 : vector<16xf32>
      %gather3A_186 = tpu.vector_load_idx %arg5[%gather3A_181, %add3A_96] : memref<1026x64xf32, #tpu.memory_space<vmem>>[vector<16xi32>, vector<16xi32>], vector<16xf32>,
      %add3A_187 = arith.addf %add3A_176, %gather3A_186 : vector<16xf32>
      %gather3A_188 = tpu.vector_load_idx %arg5[%gather3A_181, %add3A_100] : memref<1026x64xf32, #tpu.memory_space<vmem>>[vector<16xi32>, vector<16xi32>], vector<16xf32>,
      %add3A_189 = arith.addf %add3A_178, %gather3A_188 : vector<16xf32>
      %broadcast_in_dim3A_190 = vector.shape_cast %broadcast_in_dim3A_107 : vector<16xi32> to vector<16x1xi32>
      %gather3A_191 = vector.shape_cast %broadcast_in_dim3A_190 : vector<16x1xi32> to vector<16xi32>
      %gather3A_192 = tpu.dynamic_gather %get3A_157[%gather3A_191] in [0] : vector<16xi32>, vector<16xi32> -> vector<16xi32>
      %gather3A_193 = tpu.vector_load_idx %arg5[%gather3A_192, %add3A_88] : memref<1026x64xf32, #tpu.memory_space<vmem>>[vector<16xi32>, vector<16xi32>], vector<16xf32>,
      %add3A_194 = arith.addf %add3A_183, %gather3A_193 : vector<16xf32>
      %gather3A_195 = tpu.vector_load_idx %arg5[%gather3A_192, %add3A_92] : memref<1026x64xf32, #tpu.memory_space<vmem>>[vector<16xi32>, vector<16xi32>], vector<16xf32>,
      %add3A_196 = arith.addf %add3A_185, %gather3A_195 : vector<16xf32>
      %gather3A_197 = tpu.vector_load_idx %arg5[%gather3A_192, %add3A_96] : memref<1026x64xf32, #tpu.memory_space<vmem>>[vector<16xi32>, vector<16xi32>], vector<16xf32>,
      %add3A_198 = arith.addf %add3A_187, %gather3A_197 : vector<16xf32>
      %gather3A_199 = tpu.vector_load_idx %arg5[%gather3A_192, %add3A_100] : memref<1026x64xf32, #tpu.memory_space<vmem>>[vector<16xi32>, vector<16xi32>], vector<16xf32>,
      %add3A_200 = arith.addf %add3A_189, %gather3A_199 : vector<16xf32>
      %broadcast_in_dim3A_201 = vector.shape_cast %broadcast_in_dim3A_109 : vector<16xi32> to vector<16x1xi32>
      %gather3A_202 = vector.shape_cast %broadcast_in_dim3A_201 : vector<16x1xi32> to vector<16xi32>
      %gather3A_203 = tpu.dynamic_gather %get3A_157[%gather3A_202] in [0] : vector<16xi32>, vector<16xi32> -> vector<16xi32>
      %gather3A_204 = tpu.vector_load_idx %arg5[%gather3A_203, %add3A_88] : memref<1026x64xf32, #tpu.memory_space<vmem>>[vector<16xi32>, vector<16xi32>], vector<16xf32>,
      %add3A_205 = arith.addf %add3A_194, %gather3A_204 : vector<16xf32>
      %gather3A_206 = tpu.vector_load_idx %arg5[%gather3A_203, %add3A_92] : memref<1026x64xf32, #tpu.memory_space<vmem>>[vector<16xi32>, vector<16xi32>], vector<16xf32>,
      %add3A_207 = arith.addf %add3A_196, %gather3A_206 : vector<16xf32>
      %gather3A_208 = tpu.vector_load_idx %arg5[%gather3A_203, %add3A_96] : memref<1026x64xf32, #tpu.memory_space<vmem>>[vector<16xi32>, vector<16xi32>], vector<16xf32>,
      %add3A_209 = arith.addf %add3A_198, %gather3A_208 : vector<16xf32>
      %gather3A_210 = tpu.vector_load_idx %arg5[%gather3A_203, %add3A_100] : memref<1026x64xf32, #tpu.memory_space<vmem>>[vector<16xi32>, vector<16xi32>], vector<16xf32>,
      %add3A_211 = arith.addf %add3A_200, %gather3A_210 : vector<16xf32>
      %broadcast_in_dim3A_212 = vector.shape_cast %broadcast_in_dim3A_111 : vector<16xi32> to vector<16x1xi32>
      %gather3A_213 = vector.shape_cast %broadcast_in_dim3A_212 : vector<16x1xi32> to vector<16xi32>
      %gather3A_214 = tpu.dynamic_gather %get3A_157[%gather3A_213] in [0] : vector<16xi32>, vector<16xi32> -> vector<16xi32>
      %gather3A_215 = tpu.vector_load_idx %arg5[%gather3A_214, %add3A_88] : memref<1026x64xf32, #tpu.memory_space<vmem>>[vector<16xi32>, vector<16xi32>], vector<16xf32>,
      %add3A_216 = arith.addf %add3A_205, %gather3A_215 : vector<16xf32>
      %gather3A_217 = tpu.vector_load_idx %arg5[%gather3A_214, %add3A_92] : memref<1026x64xf32, #tpu.memory_space<vmem>>[vector<16xi32>, vector<16xi32>], vector<16xf32>,
      %add3A_218 = arith.addf %add3A_207, %gather3A_217 : vector<16xf32>
      %gather3A_219 = tpu.vector_load_idx %arg5[%gather3A_214, %add3A_96] : memref<1026x64xf32, #tpu.memory_space<vmem>>[vector<16xi32>, vector<16xi32>], vector<16xf32>,
      %add3A_220 = arith.addf %add3A_209, %gather3A_219 : vector<16xf32>
      %gather3A_221 = tpu.vector_load_idx %arg5[%gather3A_214, %add3A_100] : memref<1026x64xf32, #tpu.memory_space<vmem>>[vector<16xi32>, vector<16xi32>], vector<16xf32>,
      %add3A_222 = arith.addf %add3A_211, %gather3A_221 : vector<16xf32>
      %broadcast_in_dim3A_223 = vector.shape_cast %broadcast_in_dim3A_113 : vector<16xi32> to vector<16x1xi32>
      %gather3A_224 = vector.shape_cast %broadcast_in_dim3A_223 : vector<16x1xi32> to vector<16xi32>
      %gather3A_225 = tpu.dynamic_gather %get3A_157[%gather3A_224] in [0] : vector<16xi32>, vector<16xi32> -> vector<16xi32>
      %gather3A_226 = tpu.vector_load_idx %arg5[%gather3A_225, %add3A_88] : memref<1026x64xf32, #tpu.memory_space<vmem>>[vector<16xi32>, vector<16xi32>], vector<16xf32>,
      %add3A_227 = arith.addf %add3A_216, %gather3A_226 : vector<16xf32>
      %gather3A_228 = tpu.vector_load_idx %arg5[%gather3A_225, %add3A_92] : memref<1026x64xf32, #tpu.memory_space<vmem>>[vector<16xi32>, vector<16xi32>], vector<16xf32>,
      %add3A_229 = arith.addf %add3A_218, %gather3A_228 : vector<16xf32>
      %gather3A_230 = tpu.vector_load_idx %arg5[%gather3A_225, %add3A_96] : memref<1026x64xf32, #tpu.memory_space<vmem>>[vector<16xi32>, vector<16xi32>], vector<16xf32>,
      %add3A_231 = arith.addf %add3A_220, %gather3A_230 : vector<16xf32>
      %gather3A_232 = tpu.vector_load_idx %arg5[%gather3A_225, %add3A_100] : memref<1026x64xf32, #tpu.memory_space<vmem>>[vector<16xi32>, vector<16xi32>], vector<16xf32>,
      %add3A_233 = arith.addf %add3A_222, %gather3A_232 : vector<16xf32>
      %broadcast_in_dim3A_234 = vector.shape_cast %broadcast_in_dim3A_115 : vector<16xi32> to vector<16x1xi32>
      %gather3A_235 = vector.shape_cast %broadcast_in_dim3A_234 : vector<16x1xi32> to vector<16xi32>
      %gather3A_236 = tpu.dynamic_gather %get3A_157[%gather3A_235] in [0] : vector<16xi32>, vector<16xi32> -> vector<16xi32>
      %gather3A_237 = tpu.vector_load_idx %arg5[%gather3A_236, %add3A_88] : memref<1026x64xf32, #tpu.memory_space<vmem>>[vector<16xi32>, vector<16xi32>], vector<16xf32>,
      %add3A_238 = arith.addf %add3A_227, %gather3A_237 : vector<16xf32>
      %gather3A_239 = tpu.vector_load_idx %arg5[%gather3A_236, %add3A_92] : memref<1026x64xf32, #tpu.memory_space<vmem>>[vector<16xi32>, vector<16xi32>], vector<16xf32>,
      %add3A_240 = arith.addf %add3A_229, %gather3A_239 : vector<16xf32>
      %gather3A_241 = tpu.vector_load_idx %arg5[%gather3A_236, %add3A_96] : memref<1026x64xf32, #tpu.memory_space<vmem>>[vector<16xi32>, vector<16xi32>], vector<16xf32>,
      %add3A_242 = arith.addf %add3A_231, %gather3A_241 : vector<16xf32>
      %gather3A_243 = tpu.vector_load_idx %arg5[%gather3A_236, %add3A_100] : memref<1026x64xf32, #tpu.memory_space<vmem>>[vector<16xi32>, vector<16xi32>], vector<16xf32>,
      %add3A_244 = arith.addf %add3A_233, %gather3A_243 : vector<16xf32>
      %broadcast_in_dim3A_245 = vector.shape_cast %broadcast_in_dim3A_117 : vector<16xi32> to vector<16x1xi32>
      %gather3A_246 = vector.shape_cast %broadcast_in_dim3A_245 : vector<16x1xi32> to vector<16xi32>
      %gather3A_247 = tpu.dynamic_gather %get3A_157[%gather3A_246] in [0] : vector<16xi32>, vector<16xi32> -> vector<16xi32>
      %gather3A_248 = tpu.vector_load_idx %arg5[%gather3A_247, %add3A_88] : memref<1026x64xf32, #tpu.memory_space<vmem>>[vector<16xi32>, vector<16xi32>], vector<16xf32>,
      %add3A_249 = arith.addf %add3A_238, %gather3A_248 : vector<16xf32>
      %gather3A_250 = tpu.vector_load_idx %arg5[%gather3A_247, %add3A_92] : memref<1026x64xf32, #tpu.memory_space<vmem>>[vector<16xi32>, vector<16xi32>], vector<16xf32>,
      %add3A_251 = arith.addf %add3A_240, %gather3A_250 : vector<16xf32>
      %gather3A_252 = tpu.vector_load_idx %arg5[%gather3A_247, %add3A_96] : memref<1026x64xf32, #tpu.memory_space<vmem>>[vector<16xi32>, vector<16xi32>], vector<16xf32>,
      %add3A_253 = arith.addf %add3A_242, %gather3A_252 : vector<16xf32>
      %gather3A_254 = tpu.vector_load_idx %arg5[%gather3A_247, %add3A_100] : memref<1026x64xf32, #tpu.memory_space<vmem>>[vector<16xi32>, vector<16xi32>], vector<16xf32>,
      %add3A_255 = arith.addf %add3A_244, %gather3A_254 : vector<16xf32>
      %broadcast_in_dim3A_256 = vector.shape_cast %broadcast_in_dim3A_119 : vector<16xi32> to vector<16x1xi32>
      %gather3A_257 = vector.shape_cast %broadcast_in_dim3A_256 : vector<16x1xi32> to vector<16xi32>
      %gather3A_258 = tpu.dynamic_gather %get3A_157[%gather3A_257] in [0] : vector<16xi32>, vector<16xi32> -> vector<16xi32>
      %gather3A_259 = tpu.vector_load_idx %arg5[%gather3A_258, %add3A_88] : memref<1026x64xf32, #tpu.memory_space<vmem>>[vector<16xi32>, vector<16xi32>], vector<16xf32>,
      %add3A_260 = arith.addf %add3A_249, %gather3A_259 : vector<16xf32>
      %gather3A_261 = tpu.vector_load_idx %arg5[%gather3A_258, %add3A_92] : memref<1026x64xf32, #tpu.memory_space<vmem>>[vector<16xi32>, vector<16xi32>], vector<16xf32>,
      %add3A_262 = arith.addf %add3A_251, %gather3A_261 : vector<16xf32>
      %gather3A_263 = tpu.vector_load_idx %arg5[%gather3A_258, %add3A_96] : memref<1026x64xf32, #tpu.memory_space<vmem>>[vector<16xi32>, vector<16xi32>], vector<16xf32>,
      %add3A_264 = arith.addf %add3A_253, %gather3A_263 : vector<16xf32>
      %gather3A_265 = tpu.vector_load_idx %arg5[%gather3A_258, %add3A_100] : memref<1026x64xf32, #tpu.memory_space<vmem>>[vector<16xi32>, vector<16xi32>], vector<16xf32>,
      %add3A_266 = arith.addf %add3A_255, %gather3A_265 : vector<16xf32>
      %broadcast_in_dim3A_267 = vector.shape_cast %broadcast_in_dim3A_121 : vector<16xi32> to vector<16x1xi32>
      %gather3A_268 = vector.shape_cast %broadcast_in_dim3A_267 : vector<16x1xi32> to vector<16xi32>
      %gather3A_269 = tpu.dynamic_gather %get3A_157[%gather3A_268] in [0] : vector<16xi32>, vector<16xi32> -> vector<16xi32>
      %gather3A_270 = tpu.vector_load_idx %arg5[%gather3A_269, %add3A_88] : memref<1026x64xf32, #tpu.memory_space<vmem>>[vector<16xi32>, vector<16xi32>], vector<16xf32>,
      %add3A_271 = arith.addf %add3A_260, %gather3A_270 : vector<16xf32>
      %gather3A_272 = tpu.vector_load_idx %arg5[%gather3A_269, %add3A_92] : memref<1026x64xf32, #tpu.memory_space<vmem>>[vector<16xi32>, vector<16xi32>], vector<16xf32>,
      %add3A_273 = arith.addf %add3A_262, %gather3A_272 : vector<16xf32>
      %gather3A_274 = tpu.vector_load_idx %arg5[%gather3A_269, %add3A_96] : memref<1026x64xf32, #tpu.memory_space<vmem>>[vector<16xi32>, vector<16xi32>], vector<16xf32>,
      %add3A_275 = arith.addf %add3A_264, %gather3A_274 : vector<16xf32>
      %gather3A_276 = tpu.vector_load_idx %arg5[%gather3A_269, %add3A_100] : memref<1026x64xf32, #tpu.memory_space<vmem>>[vector<16xi32>, vector<16xi32>], vector<16xf32>,
      %add3A_277 = arith.addf %add3A_266, %gather3A_276 : vector<16xf32>
      %broadcast_in_dim3A_278 = vector.shape_cast %broadcast_in_dim3A_123 : vector<16xi32> to vector<16x1xi32>
      %gather3A_279 = vector.shape_cast %broadcast_in_dim3A_278 : vector<16x1xi32> to vector<16xi32>
      %gather3A_280 = tpu.dynamic_gather %get3A_157[%gather3A_279] in [0] : vector<16xi32>, vector<16xi32> -> vector<16xi32>
      %gather3A_281 = tpu.vector_load_idx %arg5[%gather3A_280, %add3A_88] : memref<1026x64xf32, #tpu.memory_space<vmem>>[vector<16xi32>, vector<16xi32>], vector<16xf32>,
      %add3A_282 = arith.addf %add3A_271, %gather3A_281 : vector<16xf32>
      %gather3A_283 = tpu.vector_load_idx %arg5[%gather3A_280, %add3A_92] : memref<1026x64xf32, #tpu.memory_space<vmem>>[vector<16xi32>, vector<16xi32>], vector<16xf32>,
      %add3A_284 = arith.addf %add3A_273, %gather3A_283 : vector<16xf32>
      %gather3A_285 = tpu.vector_load_idx %arg5[%gather3A_280, %add3A_96] : memref<1026x64xf32, #tpu.memory_space<vmem>>[vector<16xi32>, vector<16xi32>], vector<16xf32>,
      %add3A_286 = arith.addf %add3A_275, %gather3A_285 : vector<16xf32>
      %gather3A_287 = tpu.vector_load_idx %arg5[%gather3A_280, %add3A_100] : memref<1026x64xf32, #tpu.memory_space<vmem>>[vector<16xi32>, vector<16xi32>], vector<16xf32>,
      %add3A_288 = arith.addf %add3A_277, %gather3A_287 : vector<16xf32>
      %broadcast_in_dim3A_289 = vector.shape_cast %broadcast_in_dim3A_125 : vector<16xi32> to vector<16x1xi32>
      %gather3A_290 = vector.shape_cast %broadcast_in_dim3A_289 : vector<16x1xi32> to vector<16xi32>
      %gather3A_291 = tpu.dynamic_gather %get3A_157[%gather3A_290] in [0] : vector<16xi32>, vector<16xi32> -> vector<16xi32>
      %gather3A_292 = tpu.vector_load_idx %arg5[%gather3A_291, %add3A_88] : memref<1026x64xf32, #tpu.memory_space<vmem>>[vector<16xi32>, vector<16xi32>], vector<16xf32>,
      %add3A_293 = arith.addf %add3A_282, %gather3A_292 : vector<16xf32>
      %gather3A_294 = tpu.vector_load_idx %arg5[%gather3A_291, %add3A_92] : memref<1026x64xf32, #tpu.memory_space<vmem>>[vector<16xi32>, vector<16xi32>], vector<16xf32>,
      %add3A_295 = arith.addf %add3A_284, %gather3A_294 : vector<16xf32>
      %gather3A_296 = tpu.vector_load_idx %arg5[%gather3A_291, %add3A_96] : memref<1026x64xf32, #tpu.memory_space<vmem>>[vector<16xi32>, vector<16xi32>], vector<16xf32>,
      %add3A_297 = arith.addf %add3A_286, %gather3A_296 : vector<16xf32>
      %gather3A_298 = tpu.vector_load_idx %arg5[%gather3A_291, %add3A_100] : memref<1026x64xf32, #tpu.memory_space<vmem>>[vector<16xi32>, vector<16xi32>], vector<16xf32>,
      %add3A_299 = arith.addf %add3A_288, %gather3A_298 : vector<16xf32>
      %broadcast_in_dim3A_300 = vector.shape_cast %broadcast_in_dim3A_127 : vector<16xi32> to vector<16x1xi32>
      %gather3A_301 = vector.shape_cast %broadcast_in_dim3A_300 : vector<16x1xi32> to vector<16xi32>
      %gather3A_302 = tpu.dynamic_gather %get3A_157[%gather3A_301] in [0] : vector<16xi32>, vector<16xi32> -> vector<16xi32>
      %gather3A_303 = tpu.vector_load_idx %arg5[%gather3A_302, %add3A_88] : memref<1026x64xf32, #tpu.memory_space<vmem>>[vector<16xi32>, vector<16xi32>], vector<16xf32>,
      %add3A_304 = arith.addf %add3A_293, %gather3A_303 : vector<16xf32>
      %gather3A_305 = tpu.vector_load_idx %arg5[%gather3A_302, %add3A_92] : memref<1026x64xf32, #tpu.memory_space<vmem>>[vector<16xi32>, vector<16xi32>], vector<16xf32>,
      %add3A_306 = arith.addf %add3A_295, %gather3A_305 : vector<16xf32>
      %gather3A_307 = tpu.vector_load_idx %arg5[%gather3A_302, %add3A_96] : memref<1026x64xf32, #tpu.memory_space<vmem>>[vector<16xi32>, vector<16xi32>], vector<16xf32>,
      %add3A_308 = arith.addf %add3A_297, %gather3A_307 : vector<16xf32>
      %gather3A_309 = tpu.vector_load_idx %arg5[%gather3A_302, %add3A_100] : memref<1026x64xf32, #tpu.memory_space<vmem>>[vector<16xi32>, vector<16xi32>], vector<16xf32>,
      %add3A_310 = arith.addf %add3A_299, %gather3A_309 : vector<16xf32>
      %broadcast_in_dim3A_311 = vector.shape_cast %broadcast_in_dim3A_129 : vector<16xi32> to vector<16x1xi32>
      %gather3A_312 = vector.shape_cast %broadcast_in_dim3A_311 : vector<16x1xi32> to vector<16xi32>
      %gather3A_313 = tpu.dynamic_gather %get3A_157[%gather3A_312] in [0] : vector<16xi32>, vector<16xi32> -> vector<16xi32>
      %gather3A_314 = tpu.vector_load_idx %arg5[%gather3A_313, %add3A_88] : memref<1026x64xf32, #tpu.memory_space<vmem>>[vector<16xi32>, vector<16xi32>], vector<16xf32>,
      %add3A_315 = arith.addf %add3A_304, %gather3A_314 : vector<16xf32>
      %gather3A_316 = tpu.vector_load_idx %arg5[%gather3A_313, %add3A_92] : memref<1026x64xf32, #tpu.memory_space<vmem>>[vector<16xi32>, vector<16xi32>], vector<16xf32>,
      %add3A_317 = arith.addf %add3A_306, %gather3A_316 : vector<16xf32>
      %gather3A_318 = tpu.vector_load_idx %arg5[%gather3A_313, %add3A_96] : memref<1026x64xf32, #tpu.memory_space<vmem>>[vector<16xi32>, vector<16xi32>], vector<16xf32>,
      %add3A_319 = arith.addf %add3A_308, %gather3A_318 : vector<16xf32>
      %gather3A_320 = tpu.vector_load_idx %arg5[%gather3A_313, %add3A_100] : memref<1026x64xf32, #tpu.memory_space<vmem>>[vector<16xi32>, vector<16xi32>], vector<16xf32>,
      %add3A_321 = arith.addf %add3A_310, %gather3A_320 : vector<16xf32>
      %broadcast_in_dim3A_322 = vector.shape_cast %broadcast_in_dim3A_131 : vector<16xi32> to vector<16x1xi32>
      %gather3A_323 = vector.shape_cast %broadcast_in_dim3A_322 : vector<16x1xi32> to vector<16xi32>
      %gather3A_324 = tpu.dynamic_gather %get3A_157[%gather3A_323] in [0] : vector<16xi32>, vector<16xi32> -> vector<16xi32>
      %gather3A_325 = tpu.vector_load_idx %arg5[%gather3A_324, %add3A_88] : memref<1026x64xf32, #tpu.memory_space<vmem>>[vector<16xi32>, vector<16xi32>], vector<16xf32>,
      %add3A_326 = arith.addf %add3A_315, %gather3A_325 : vector<16xf32>
      %gather3A_327 = tpu.vector_load_idx %arg5[%gather3A_324, %add3A_92] : memref<1026x64xf32, #tpu.memory_space<vmem>>[vector<16xi32>, vector<16xi32>], vector<16xf32>,
      %add3A_328 = arith.addf %add3A_317, %gather3A_327 : vector<16xf32>
      %gather3A_329 = tpu.vector_load_idx %arg5[%gather3A_324, %add3A_96] : memref<1026x64xf32, #tpu.memory_space<vmem>>[vector<16xi32>, vector<16xi32>], vector<16xf32>,
      %add3A_330 = arith.addf %add3A_319, %gather3A_329 : vector<16xf32>
      %gather3A_331 = tpu.vector_load_idx %arg5[%gather3A_324, %add3A_100] : memref<1026x64xf32, #tpu.memory_space<vmem>>[vector<16xi32>, vector<16xi32>], vector<16xf32>,
      %add3A_332 = arith.addf %add3A_321, %gather3A_331 : vector<16xf32>
      %mul3A_333 = arith.constant 32 : i32
      %mul3A_334 = arith.muli %scan3A_151, %mul3A_333 : i32
      %add3A_335 = arith.constant 16 : i32
      %add3A_336 = arith.addi %mul3A_334, %add3A_335 : i32
      %get3A_337 = arith.index_cast %add3A_336 : i32 to index
      %get3A_338 = tpu.vector_load %arg6[%get3A_337] {strides = array<i32>} : memref<16384xi32, #tpu.memory_space<vmem>>, vector<16xi32>,
      %broadcast_in_dim3A_339 = vector.shape_cast %broadcast_in_dim3A_101 : vector<16xi32> to vector<16x1xi32>
      %gather3A_340 = vector.shape_cast %broadcast_in_dim3A_339 : vector<16x1xi32> to vector<16xi32>
      %gather3A_341 = tpu.dynamic_gather %get3A_338[%gather3A_340] in [0] : vector<16xi32>, vector<16xi32> -> vector<16xi32>
      %gather3A_342 = tpu.vector_load_idx %arg5[%gather3A_341, %add3A_88] : memref<1026x64xf32, #tpu.memory_space<vmem>>[vector<16xi32>, vector<16xi32>], vector<16xf32>,
      %add3A_343 = arith.addf %add3A_326, %gather3A_342 : vector<16xf32>
      %gather3A_344 = tpu.vector_load_idx %arg5[%gather3A_341, %add3A_92] : memref<1026x64xf32, #tpu.memory_space<vmem>>[vector<16xi32>, vector<16xi32>], vector<16xf32>,
      %add3A_345 = arith.addf %add3A_328, %gather3A_344 : vector<16xf32>
      %gather3A_346 = tpu.vector_load_idx %arg5[%gather3A_341, %add3A_96] : memref<1026x64xf32, #tpu.memory_space<vmem>>[vector<16xi32>, vector<16xi32>], vector<16xf32>,
      %add3A_347 = arith.addf %add3A_330, %gather3A_346 : vector<16xf32>
      %gather3A_348 = tpu.vector_load_idx %arg5[%gather3A_341, %add3A_100] : memref<1026x64xf32, #tpu.memory_space<vmem>>[vector<16xi32>, vector<16xi32>], vector<16xf32>,
      %add3A_349 = arith.addf %add3A_332, %gather3A_348 : vector<16xf32>
      %broadcast_in_dim3A_350 = vector.shape_cast %broadcast_in_dim3A_103 : vector<16xi32> to vector<16x1xi32>
      %gather3A_351 = vector.shape_cast %broadcast_in_dim3A_350 : vector<16x1xi32> to vector<16xi32>
      %gather3A_352 = tpu.dynamic_gather %get3A_338[%gather3A_351] in [0] : vector<16xi32>, vector<16xi32> -> vector<16xi32>
      %gather3A_353 = tpu.vector_load_idx %arg5[%gather3A_352, %add3A_88] : memref<1026x64xf32, #tpu.memory_space<vmem>>[vector<16xi32>, vector<16xi32>], vector<16xf32>,
      %add3A_354 = arith.addf %add3A_343, %gather3A_353 : vector<16xf32>
      %gather3A_355 = tpu.vector_load_idx %arg5[%gather3A_352, %add3A_92] : memref<1026x64xf32, #tpu.memory_space<vmem>>[vector<16xi32>, vector<16xi32>], vector<16xf32>,
      %add3A_356 = arith.addf %add3A_345, %gather3A_355 : vector<16xf32>
      %gather3A_357 = tpu.vector_load_idx %arg5[%gather3A_352, %add3A_96] : memref<1026x64xf32, #tpu.memory_space<vmem>>[vector<16xi32>, vector<16xi32>], vector<16xf32>,
      %add3A_358 = arith.addf %add3A_347, %gather3A_357 : vector<16xf32>
      %gather3A_359 = tpu.vector_load_idx %arg5[%gather3A_352, %add3A_100] : memref<1026x64xf32, #tpu.memory_space<vmem>>[vector<16xi32>, vector<16xi32>], vector<16xf32>,
      %add3A_360 = arith.addf %add3A_349, %gather3A_359 : vector<16xf32>
      %broadcast_in_dim3A_361 = vector.shape_cast %broadcast_in_dim3A_105 : vector<16xi32> to vector<16x1xi32>
      %gather3A_362 = vector.shape_cast %broadcast_in_dim3A_361 : vector<16x1xi32> to vector<16xi32>
      %gather3A_363 = tpu.dynamic_gather %get3A_338[%gather3A_362] in [0] : vector<16xi32>, vector<16xi32> -> vector<16xi32>
      %gather3A_364 = tpu.vector_load_idx %arg5[%gather3A_363, %add3A_88] : memref<1026x64xf32, #tpu.memory_space<vmem>>[vector<16xi32>, vector<16xi32>], vector<16xf32>,
      %add3A_365 = arith.addf %add3A_354, %gather3A_364 : vector<16xf32>
      %gather3A_366 = tpu.vector_load_idx %arg5[%gather3A_363, %add3A_92] : memref<1026x64xf32, #tpu.memory_space<vmem>>[vector<16xi32>, vector<16xi32>], vector<16xf32>,
      %add3A_367 = arith.addf %add3A_356, %gather3A_366 : vector<16xf32>
      %gather3A_368 = tpu.vector_load_idx %arg5[%gather3A_363, %add3A_96] : memref<1026x64xf32, #tpu.memory_space<vmem>>[vector<16xi32>, vector<16xi32>], vector<16xf32>,
      %add3A_369 = arith.addf %add3A_358, %gather3A_368 : vector<16xf32>
      %gather3A_370 = tpu.vector_load_idx %arg5[%gather3A_363, %add3A_100] : memref<1026x64xf32, #tpu.memory_space<vmem>>[vector<16xi32>, vector<16xi32>], vector<16xf32>,
      %add3A_371 = arith.addf %add3A_360, %gather3A_370 : vector<16xf32>
      %broadcast_in_dim3A_372 = vector.shape_cast %broadcast_in_dim3A_107 : vector<16xi32> to vector<16x1xi32>
      %gather3A_373 = vector.shape_cast %broadcast_in_dim3A_372 : vector<16x1xi32> to vector<16xi32>
      %gather3A_374 = tpu.dynamic_gather %get3A_338[%gather3A_373] in [0] : vector<16xi32>, vector<16xi32> -> vector<16xi32>
      %gather3A_375 = tpu.vector_load_idx %arg5[%gather3A_374, %add3A_88] : memref<1026x64xf32, #tpu.memory_space<vmem>>[vector<16xi32>, vector<16xi32>], vector<16xf32>,
      %add3A_376 = arith.addf %add3A_365, %gather3A_375 : vector<16xf32>
      %gather3A_377 = tpu.vector_load_idx %arg5[%gather3A_374, %add3A_92] : memref<1026x64xf32, #tpu.memory_space<vmem>>[vector<16xi32>, vector<16xi32>], vector<16xf32>,
      %add3A_378 = arith.addf %add3A_367, %gather3A_377 : vector<16xf32>
      %gather3A_379 = tpu.vector_load_idx %arg5[%gather3A_374, %add3A_96] : memref<1026x64xf32, #tpu.memory_space<vmem>>[vector<16xi32>, vector<16xi32>], vector<16xf32>,
      %add3A_380 = arith.addf %add3A_369, %gather3A_379 : vector<16xf32>
      %gather3A_381 = tpu.vector_load_idx %arg5[%gather3A_374, %add3A_100] : memref<1026x64xf32, #tpu.memory_space<vmem>>[vector<16xi32>, vector<16xi32>], vector<16xf32>,
      %add3A_382 = arith.addf %add3A_371, %gather3A_381 : vector<16xf32>
      %broadcast_in_dim3A_383 = vector.shape_cast %broadcast_in_dim3A_109 : vector<16xi32> to vector<16x1xi32>
      %gather3A_384 = vector.shape_cast %broadcast_in_dim3A_383 : vector<16x1xi32> to vector<16xi32>
      %gather3A_385 = tpu.dynamic_gather %get3A_338[%gather3A_384] in [0] : vector<16xi32>, vector<16xi32> -> vector<16xi32>
      %gather3A_386 = tpu.vector_load_idx %arg5[%gather3A_385, %add3A_88] : memref<1026x64xf32, #tpu.memory_space<vmem>>[vector<16xi32>, vector<16xi32>], vector<16xf32>,
      %add3A_387 = arith.addf %add3A_376, %gather3A_386 : vector<16xf32>
      %gather3A_388 = tpu.vector_load_idx %arg5[%gather3A_385, %add3A_92] : memref<1026x64xf32, #tpu.memory_space<vmem>>[vector<16xi32>, vector<16xi32>], vector<16xf32>,
      %add3A_389 = arith.addf %add3A_378, %gather3A_388 : vector<16xf32>
      %gather3A_390 = tpu.vector_load_idx %arg5[%gather3A_385, %add3A_96] : memref<1026x64xf32, #tpu.memory_space<vmem>>[vector<16xi32>, vector<16xi32>], vector<16xf32>,
      %add3A_391 = arith.addf %add3A_380, %gather3A_390 : vector<16xf32>
      %gather3A_392 = tpu.vector_load_idx %arg5[%gather3A_385, %add3A_100] : memref<1026x64xf32, #tpu.memory_space<vmem>>[vector<16xi32>, vector<16xi32>], vector<16xf32>,
      %add3A_393 = arith.addf %add3A_382, %gather3A_392 : vector<16xf32>
      %broadcast_in_dim3A_394 = vector.shape_cast %broadcast_in_dim3A_111 : vector<16xi32> to vector<16x1xi32>
      %gather3A_395 = vector.shape_cast %broadcast_in_dim3A_394 : vector<16x1xi32> to vector<16xi32>
      %gather3A_396 = tpu.dynamic_gather %get3A_338[%gather3A_395] in [0] : vector<16xi32>, vector<16xi32> -> vector<16xi32>
      %gather3A_397 = tpu.vector_load_idx %arg5[%gather3A_396, %add3A_88] : memref<1026x64xf32, #tpu.memory_space<vmem>>[vector<16xi32>, vector<16xi32>], vector<16xf32>,
      %add3A_398 = arith.addf %add3A_387, %gather3A_397 : vector<16xf32>
      %gather3A_399 = tpu.vector_load_idx %arg5[%gather3A_396, %add3A_92] : memref<1026x64xf32, #tpu.memory_space<vmem>>[vector<16xi32>, vector<16xi32>], vector<16xf32>,
      %add3A_400 = arith.addf %add3A_389, %gather3A_399 : vector<16xf32>
      %gather3A_401 = tpu.vector_load_idx %arg5[%gather3A_396, %add3A_96] : memref<1026x64xf32, #tpu.memory_space<vmem>>[vector<16xi32>, vector<16xi32>], vector<16xf32>,
      %add3A_402 = arith.addf %add3A_391, %gather3A_401 : vector<16xf32>
      %gather3A_403 = tpu.vector_load_idx %arg5[%gather3A_396, %add3A_100] : memref<1026x64xf32, #tpu.memory_space<vmem>>[vector<16xi32>, vector<16xi32>], vector<16xf32>,
      %add3A_404 = arith.addf %add3A_393, %gather3A_403 : vector<16xf32>
      %broadcast_in_dim3A_405 = vector.shape_cast %broadcast_in_dim3A_113 : vector<16xi32> to vector<16x1xi32>
      %gather3A_406 = vector.shape_cast %broadcast_in_dim3A_405 : vector<16x1xi32> to vector<16xi32>
      %gather3A_407 = tpu.dynamic_gather %get3A_338[%gather3A_406] in [0] : vector<16xi32>, vector<16xi32> -> vector<16xi32>
      %gather3A_408 = tpu.vector_load_idx %arg5[%gather3A_407, %add3A_88] : memref<1026x64xf32, #tpu.memory_space<vmem>>[vector<16xi32>, vector<16xi32>], vector<16xf32>,
      %add3A_409 = arith.addf %add3A_398, %gather3A_408 : vector<16xf32>
      %gather3A_410 = tpu.vector_load_idx %arg5[%gather3A_407, %add3A_92] : memref<1026x64xf32, #tpu.memory_space<vmem>>[vector<16xi32>, vector<16xi32>], vector<16xf32>,
      %add3A_411 = arith.addf %add3A_400, %gather3A_410 : vector<16xf32>
      %gather3A_412 = tpu.vector_load_idx %arg5[%gather3A_407, %add3A_96] : memref<1026x64xf32, #tpu.memory_space<vmem>>[vector<16xi32>, vector<16xi32>], vector<16xf32>,
      %add3A_413 = arith.addf %add3A_402, %gather3A_412 : vector<16xf32>
      %gather3A_414 = tpu.vector_load_idx %arg5[%gather3A_407, %add3A_100] : memref<1026x64xf32, #tpu.memory_space<vmem>>[vector<16xi32>, vector<16xi32>], vector<16xf32>,
      %add3A_415 = arith.addf %add3A_404, %gather3A_414 : vector<16xf32>
      %broadcast_in_dim3A_416 = vector.shape_cast %broadcast_in_dim3A_115 : vector<16xi32> to vector<16x1xi32>
      %gather3A_417 = vector.shape_cast %broadcast_in_dim3A_416 : vector<16x1xi32> to vector<16xi32>
      %gather3A_418 = tpu.dynamic_gather %get3A_338[%gather3A_417] in [0] : vector<16xi32>, vector<16xi32> -> vector<16xi32>
      %gather3A_419 = tpu.vector_load_idx %arg5[%gather3A_418, %add3A_88] : memref<1026x64xf32, #tpu.memory_space<vmem>>[vector<16xi32>, vector<16xi32>], vector<16xf32>,
      %add3A_420 = arith.addf %add3A_409, %gather3A_419 : vector<16xf32>
      %gather3A_421 = tpu.vector_load_idx %arg5[%gather3A_418, %add3A_92] : memref<1026x64xf32, #tpu.memory_space<vmem>>[vector<16xi32>, vector<16xi32>], vector<16xf32>,
      %add3A_422 = arith.addf %add3A_411, %gather3A_421 : vector<16xf32>
      %gather3A_423 = tpu.vector_load_idx %arg5[%gather3A_418, %add3A_96] : memref<1026x64xf32, #tpu.memory_space<vmem>>[vector<16xi32>, vector<16xi32>], vector<16xf32>,
      %add3A_424 = arith.addf %add3A_413, %gather3A_423 : vector<16xf32>
      %gather3A_425 = tpu.vector_load_idx %arg5[%gather3A_418, %add3A_100] : memref<1026x64xf32, #tpu.memory_space<vmem>>[vector<16xi32>, vector<16xi32>], vector<16xf32>,
      %add3A_426 = arith.addf %add3A_415, %gather3A_425 : vector<16xf32>
      %broadcast_in_dim3A_427 = vector.shape_cast %broadcast_in_dim3A_117 : vector<16xi32> to vector<16x1xi32>
      %gather3A_428 = vector.shape_cast %broadcast_in_dim3A_427 : vector<16x1xi32> to vector<16xi32>
      %gather3A_429 = tpu.dynamic_gather %get3A_338[%gather3A_428] in [0] : vector<16xi32>, vector<16xi32> -> vector<16xi32>
      %gather3A_430 = tpu.vector_load_idx %arg5[%gather3A_429, %add3A_88] : memref<1026x64xf32, #tpu.memory_space<vmem>>[vector<16xi32>, vector<16xi32>], vector<16xf32>,
      %add3A_431 = arith.addf %add3A_420, %gather3A_430 : vector<16xf32>
      %gather3A_432 = tpu.vector_load_idx %arg5[%gather3A_429, %add3A_92] : memref<1026x64xf32, #tpu.memory_space<vmem>>[vector<16xi32>, vector<16xi32>], vector<16xf32>,
      %add3A_433 = arith.addf %add3A_422, %gather3A_432 : vector<16xf32>
      %gather3A_434 = tpu.vector_load_idx %arg5[%gather3A_429, %add3A_96] : memref<1026x64xf32, #tpu.memory_space<vmem>>[vector<16xi32>, vector<16xi32>], vector<16xf32>,
      %add3A_435 = arith.addf %add3A_424, %gather3A_434 : vector<16xf32>
      %gather3A_436 = tpu.vector_load_idx %arg5[%gather3A_429, %add3A_100] : memref<1026x64xf32, #tpu.memory_space<vmem>>[vector<16xi32>, vector<16xi32>], vector<16xf32>,
      %add3A_437 = arith.addf %add3A_426, %gather3A_436 : vector<16xf32>
      %broadcast_in_dim3A_438 = vector.shape_cast %broadcast_in_dim3A_119 : vector<16xi32> to vector<16x1xi32>
      %gather3A_439 = vector.shape_cast %broadcast_in_dim3A_438 : vector<16x1xi32> to vector<16xi32>
      %gather3A_440 = tpu.dynamic_gather %get3A_338[%gather3A_439] in [0] : vector<16xi32>, vector<16xi32> -> vector<16xi32>
      %gather3A_441 = tpu.vector_load_idx %arg5[%gather3A_440, %add3A_88] : memref<1026x64xf32, #tpu.memory_space<vmem>>[vector<16xi32>, vector<16xi32>], vector<16xf32>,
      %add3A_442 = arith.addf %add3A_431, %gather3A_441 : vector<16xf32>
      %gather3A_443 = tpu.vector_load_idx %arg5[%gather3A_440, %add3A_92] : memref<1026x64xf32, #tpu.memory_space<vmem>>[vector<16xi32>, vector<16xi32>], vector<16xf32>,
      %add3A_444 = arith.addf %add3A_433, %gather3A_443 : vector<16xf32>
      %gather3A_445 = tpu.vector_load_idx %arg5[%gather3A_440, %add3A_96] : memref<1026x64xf32, #tpu.memory_space<vmem>>[vector<16xi32>, vector<16xi32>], vector<16xf32>,
      %add3A_446 = arith.addf %add3A_435, %gather3A_445 : vector<16xf32>
      %gather3A_447 = tpu.vector_load_idx %arg5[%gather3A_440, %add3A_100] : memref<1026x64xf32, #tpu.memory_space<vmem>>[vector<16xi32>, vector<16xi32>], vector<16xf32>,
      %add3A_448 = arith.addf %add3A_437, %gather3A_447 : vector<16xf32>
      %broadcast_in_dim3A_449 = vector.shape_cast %broadcast_in_dim3A_121 : vector<16xi32> to vector<16x1xi32>
      %gather3A_450 = vector.shape_cast %broadcast_in_dim3A_449 : vector<16x1xi32> to vector<16xi32>
      %gather3A_451 = tpu.dynamic_gather %get3A_338[%gather3A_450] in [0] : vector<16xi32>, vector<16xi32> -> vector<16xi32>
      %gather3A_452 = tpu.vector_load_idx %arg5[%gather3A_451, %add3A_88] : memref<1026x64xf32, #tpu.memory_space<vmem>>[vector<16xi32>, vector<16xi32>], vector<16xf32>,
      %add3A_453 = arith.addf %add3A_442, %gather3A_452 : vector<16xf32>
      %gather3A_454 = tpu.vector_load_idx %arg5[%gather3A_451, %add3A_92] : memref<1026x64xf32, #tpu.memory_space<vmem>>[vector<16xi32>, vector<16xi32>], vector<16xf32>,
      %add3A_455 = arith.addf %add3A_444, %gather3A_454 : vector<16xf32>
      %gather3A_456 = tpu.vector_load_idx %arg5[%gather3A_451, %add3A_96] : memref<1026x64xf32, #tpu.memory_space<vmem>>[vector<16xi32>, vector<16xi32>], vector<16xf32>,
      %add3A_457 = arith.addf %add3A_446, %gather3A_456 : vector<16xf32>
      %gather3A_458 = tpu.vector_load_idx %arg5[%gather3A_451, %add3A_100] : memref<1026x64xf32, #tpu.memory_space<vmem>>[vector<16xi32>, vector<16xi32>], vector<16xf32>,
      %add3A_459 = arith.addf %add3A_448, %gather3A_458 : vector<16xf32>
      %broadcast_in_dim3A_460 = vector.shape_cast %broadcast_in_dim3A_123 : vector<16xi32> to vector<16x1xi32>
      %gather3A_461 = vector.shape_cast %broadcast_in_dim3A_460 : vector<16x1xi32> to vector<16xi32>
      %gather3A_462 = tpu.dynamic_gather %get3A_338[%gather3A_461] in [0] : vector<16xi32>, vector<16xi32> -> vector<16xi32>
      %gather3A_463 = tpu.vector_load_idx %arg5[%gather3A_462, %add3A_88] : memref<1026x64xf32, #tpu.memory_space<vmem>>[vector<16xi32>, vector<16xi32>], vector<16xf32>,
      %add3A_464 = arith.addf %add3A_453, %gather3A_463 : vector<16xf32>
      %gather3A_465 = tpu.vector_load_idx %arg5[%gather3A_462, %add3A_92] : memref<1026x64xf32, #tpu.memory_space<vmem>>[vector<16xi32>, vector<16xi32>], vector<16xf32>,
      %add3A_466 = arith.addf %add3A_455, %gather3A_465 : vector<16xf32>
      %gather3A_467 = tpu.vector_load_idx %arg5[%gather3A_462, %add3A_96] : memref<1026x64xf32, #tpu.memory_space<vmem>>[vector<16xi32>, vector<16xi32>], vector<16xf32>,
      %add3A_468 = arith.addf %add3A_457, %gather3A_467 : vector<16xf32>
      %gather3A_469 = tpu.vector_load_idx %arg5[%gather3A_462, %add3A_100] : memref<1026x64xf32, #tpu.memory_space<vmem>>[vector<16xi32>, vector<16xi32>], vector<16xf32>,
      %add3A_470 = arith.addf %add3A_459, %gather3A_469 : vector<16xf32>
      %broadcast_in_dim3A_471 = vector.shape_cast %broadcast_in_dim3A_125 : vector<16xi32> to vector<16x1xi32>
      %gather3A_472 = vector.shape_cast %broadcast_in_dim3A_471 : vector<16x1xi32> to vector<16xi32>
      %gather3A_473 = tpu.dynamic_gather %get3A_338[%gather3A_472] in [0] : vector<16xi32>, vector<16xi32> -> vector<16xi32>
      %gather3A_474 = tpu.vector_load_idx %arg5[%gather3A_473, %add3A_88] : memref<1026x64xf32, #tpu.memory_space<vmem>>[vector<16xi32>, vector<16xi32>], vector<16xf32>,
      %add3A_475 = arith.addf %add3A_464, %gather3A_474 : vector<16xf32>
      %gather3A_476 = tpu.vector_load_idx %arg5[%gather3A_473, %add3A_92] : memref<1026x64xf32, #tpu.memory_space<vmem>>[vector<16xi32>, vector<16xi32>], vector<16xf32>,
      %add3A_477 = arith.addf %add3A_466, %gather3A_476 : vector<16xf32>
      %gather3A_478 = tpu.vector_load_idx %arg5[%gather3A_473, %add3A_96] : memref<1026x64xf32, #tpu.memory_space<vmem>>[vector<16xi32>, vector<16xi32>], vector<16xf32>,
      %add3A_479 = arith.addf %add3A_468, %gather3A_478 : vector<16xf32>
      %gather3A_480 = tpu.vector_load_idx %arg5[%gather3A_473, %add3A_100] : memref<1026x64xf32, #tpu.memory_space<vmem>>[vector<16xi32>, vector<16xi32>], vector<16xf32>,
      %add3A_481 = arith.addf %add3A_470, %gather3A_480 : vector<16xf32>
      %broadcast_in_dim3A_482 = vector.shape_cast %broadcast_in_dim3A_127 : vector<16xi32> to vector<16x1xi32>
      %gather3A_483 = vector.shape_cast %broadcast_in_dim3A_482 : vector<16x1xi32> to vector<16xi32>
      %gather3A_484 = tpu.dynamic_gather %get3A_338[%gather3A_483] in [0] : vector<16xi32>, vector<16xi32> -> vector<16xi32>
      %gather3A_485 = tpu.vector_load_idx %arg5[%gather3A_484, %add3A_88] : memref<1026x64xf32, #tpu.memory_space<vmem>>[vector<16xi32>, vector<16xi32>], vector<16xf32>,
      %add3A_486 = arith.addf %add3A_475, %gather3A_485 : vector<16xf32>
      %gather3A_487 = tpu.vector_load_idx %arg5[%gather3A_484, %add3A_92] : memref<1026x64xf32, #tpu.memory_space<vmem>>[vector<16xi32>, vector<16xi32>], vector<16xf32>,
      %add3A_488 = arith.addf %add3A_477, %gather3A_487 : vector<16xf32>
      %gather3A_489 = tpu.vector_load_idx %arg5[%gather3A_484, %add3A_96] : memref<1026x64xf32, #tpu.memory_space<vmem>>[vector<16xi32>, vector<16xi32>], vector<16xf32>,
      %add3A_490 = arith.addf %add3A_479, %gather3A_489 : vector<16xf32>
      %gather3A_491 = tpu.vector_load_idx %arg5[%gather3A_484, %add3A_100] : memref<1026x64xf32, #tpu.memory_space<vmem>>[vector<16xi32>, vector<16xi32>], vector<16xf32>,
      %add3A_492 = arith.addf %add3A_481, %gather3A_491 : vector<16xf32>
      %broadcast_in_dim3A_493 = vector.shape_cast %broadcast_in_dim3A_129 : vector<16xi32> to vector<16x1xi32>
      %gather3A_494 = vector.shape_cast %broadcast_in_dim3A_493 : vector<16x1xi32> to vector<16xi32>
      %gather3A_495 = tpu.dynamic_gather %get3A_338[%gather3A_494] in [0] : vector<16xi32>, vector<16xi32> -> vector<16xi32>
      %gather3A_496 = tpu.vector_load_idx %arg5[%gather3A_495, %add3A_88] : memref<1026x64xf32, #tpu.memory_space<vmem>>[vector<16xi32>, vector<16xi32>], vector<16xf32>,
      %add3A_497 = arith.addf %add3A_486, %gather3A_496 : vector<16xf32>
      %gather3A_498 = tpu.vector_load_idx %arg5[%gather3A_495, %add3A_92] : memref<1026x64xf32, #tpu.memory_space<vmem>>[vector<16xi32>, vector<16xi32>], vector<16xf32>,
      %add3A_499 = arith.addf %add3A_488, %gather3A_498 : vector<16xf32>
      %gather3A_500 = tpu.vector_load_idx %arg5[%gather3A_495, %add3A_96] : memref<1026x64xf32, #tpu.memory_space<vmem>>[vector<16xi32>, vector<16xi32>], vector<16xf32>,
      %add3A_501 = arith.addf %add3A_490, %gather3A_500 : vector<16xf32>
      %gather3A_502 = tpu.vector_load_idx %arg5[%gather3A_495, %add3A_100] : memref<1026x64xf32, #tpu.memory_space<vmem>>[vector<16xi32>, vector<16xi32>], vector<16xf32>,
      %add3A_503 = arith.addf %add3A_492, %gather3A_502 : vector<16xf32>
      %broadcast_in_dim3A_504 = vector.shape_cast %broadcast_in_dim3A_131 : vector<16xi32> to vector<16x1xi32>
      %gather3A_505 = vector.shape_cast %broadcast_in_dim3A_504 : vector<16x1xi32> to vector<16xi32>
      %gather3A_506 = tpu.dynamic_gather %get3A_338[%gather3A_505] in [0] : vector<16xi32>, vector<16xi32> -> vector<16xi32>
      %gather3A_507 = tpu.vector_load_idx %arg5[%gather3A_506, %add3A_88] : memref<1026x64xf32, #tpu.memory_space<vmem>>[vector<16xi32>, vector<16xi32>], vector<16xf32>,
      %add3A_508 = arith.addf %add3A_497, %gather3A_507 : vector<16xf32>
      %gather3A_509 = tpu.vector_load_idx %arg5[%gather3A_506, %add3A_92] : memref<1026x64xf32, #tpu.memory_space<vmem>>[vector<16xi32>, vector<16xi32>], vector<16xf32>,
      %add3A_510 = arith.addf %add3A_499, %gather3A_509 : vector<16xf32>
      %gather3A_511 = tpu.vector_load_idx %arg5[%gather3A_506, %add3A_96] : memref<1026x64xf32, #tpu.memory_space<vmem>>[vector<16xi32>, vector<16xi32>], vector<16xf32>,
      %add3A_512 = arith.addf %add3A_501, %gather3A_511 : vector<16xf32>
      %gather3A_513 = tpu.vector_load_idx %arg5[%gather3A_506, %add3A_100] : memref<1026x64xf32, #tpu.memory_space<vmem>>[vector<16xi32>, vector<16xi32>], vector<16xf32>,
      %add3A_514 = arith.addf %add3A_503, %gather3A_513 : vector<16xf32>
      %swap3A = arith.index_cast %scan3A_151 : i32 to index
      %swap3A_515 = arith.constant 0 : index
      %swap3A_516 = tpu.vector_load %arg7[%swap3A, %swap3A_515] {strides = array<i32>} : memref<512x64xf32, #tpu.memory_space<vmem>>, vector<16xf32>,
      tpu.vector_store %arg7[%swap3A, %swap3A_515], %add3A_508 {strides = array<i32>} : memref<512x64xf32, #tpu.memory_space<vmem>>, vector<16xf32>,
      %swap3A_517 = arith.index_cast %scan3A_151 : i32 to index
      %swap3A_518 = arith.constant 16 : index
      %swap3A_519 = tpu.vector_load %arg7[%swap3A_517, %swap3A_518] {strides = array<i32>} : memref<512x64xf32, #tpu.memory_space<vmem>>, vector<16xf32>,
      tpu.vector_store %arg7[%swap3A_517, %swap3A_518], %add3A_510 {strides = array<i32>} : memref<512x64xf32, #tpu.memory_space<vmem>>, vector<16xf32>,
      %swap3A_520 = arith.index_cast %scan3A_151 : i32 to index
      %swap3A_521 = arith.constant 32 : index
      %swap3A_522 = tpu.vector_load %arg7[%swap3A_520, %swap3A_521] {strides = array<i32>} : memref<512x64xf32, #tpu.memory_space<vmem>>, vector<16xf32>,
      tpu.vector_store %arg7[%swap3A_520, %swap3A_521], %add3A_512 {strides = array<i32>} : memref<512x64xf32, #tpu.memory_space<vmem>>, vector<16xf32>,
      %swap3A_523 = arith.index_cast %scan3A_151 : i32 to index
      %swap3A_524 = arith.constant 48 : index
      %swap3A_525 = tpu.vector_load %arg7[%swap3A_523, %swap3A_524] {strides = array<i32>} : memref<512x64xf32, #tpu.memory_space<vmem>>, vector<16xf32>,
      tpu.vector_store %arg7[%swap3A_523, %swap3A_524], %add3A_514 {strides = array<i32>} : memref<512x64xf32, #tpu.memory_space<vmem>>, vector<16xf32>,
      %scan3A_526 = arith.constant 0 : i32
      scf.yield %scan3A_526 : i32
    }
    %scan3A_148 = arith.constant 512 : i32
    %mul3A_149 = arith.constant 512 : i32
    %mul3A_150 = arith.muli %select_n3A_9, %mul3A_149 : i32
    "tpu.region"() ({
      %run_scoped3A = tpu.sem_alloc : memref<!tpu.dma_semaphore, #tpu.memory_space<semaphore_mem>>
      %dma_start3A_151 = arith.constant 0 : i32
      %dma_start3A_152 = tpu.memref_slice %arg4[%select_n3A_30, %mul3A_150, %dma_start3A_151] : memref<2x8192x64xf32, #tpu.memory_space<hbm>> -> memref<1x512x64xf32, #tpu.memory_space<hbm>>
      %dma_start3A_153 = tpu.memref_squeeze %dma_start3A_152 : memref<1x512x64xf32, #tpu.memory_space<hbm>> -> memref<512x64xf32, #tpu.memory_space<hbm>>
      %dma_start3A_154 = arith.constant 0 : i32
      %dma_start3A_155 = tpu.memref_slice %arg4[%select_n3A_30, %mul3A_150, %dma_start3A_154] : memref<2x8192x64xf32, #tpu.memory_space<hbm>> -> memref<1x512x64xf32, #tpu.memory_space<hbm>>
      %dma_start3A_156 = tpu.memref_squeeze %dma_start3A_155 : memref<1x512x64xf32, #tpu.memory_space<hbm>> -> memref<512x64xf32, #tpu.memory_space<hbm>>
      tpu.enqueue_dma source(%arg7 : memref<512x64xf32, #tpu.memory_space<vmem>>) target(%dma_start3A_156 : memref<512x64xf32, #tpu.memory_space<hbm>>) target_semaphore(%run_scoped3A : memref<!tpu.dma_semaphore, #tpu.memory_space<semaphore_mem>>)
      %dma_wait3A_157 = arith.constant 0 : i32
      %dma_wait3A_158 = tpu.memref_slice %arg4[%select_n3A_30, %mul3A_150, %dma_wait3A_157] : memref<2x8192x64xf32, #tpu.memory_space<hbm>> -> memref<1x512x64xf32, #tpu.memory_space<hbm>>
      %dma_wait3A_159 = tpu.memref_squeeze %dma_wait3A_158 : memref<1x512x64xf32, #tpu.memory_space<hbm>> -> memref<512x64xf32, #tpu.memory_space<hbm>>
      %dma_wait3A_160 = arith.constant 0 : i32
      %dma_wait3A_161 = tpu.memref_slice %arg4[%select_n3A_30, %mul3A_150, %dma_wait3A_160] : memref<2x8192x64xf32, #tpu.memory_space<hbm>> -> memref<1x512x64xf32, #tpu.memory_space<hbm>>
      %dma_wait3A_162 = tpu.memref_squeeze %dma_wait3A_161 : memref<1x512x64xf32, #tpu.memory_space<hbm>> -> memref<512x64xf32, #tpu.memory_space<hbm>>
      tpu.wait_dma2 semaphore(%run_scoped3A : memref<!tpu.dma_semaphore, #tpu.memory_space<semaphore_mem>>) src(%arg7 : memref<512x64xf32, #tpu.memory_space<vmem>>) dst(%dma_wait3A_162 : memref<512x64xf32, #tpu.memory_space<hbm>>)
      tpu.yield
    }) : () -> ()
    return
  }
}

module attributes {stable_mosaic.version = 14 : i64} {
  func.func @body(%arg0: memref<8x1024x128xf32, #tpu.memory_space<vmem>>, %arg1: memref<1024x128xf32, #tpu.memory_space<vmem>>, %arg2: memref<1x128xf32, #tpu.memory_space<vmem>>, %arg3: memref<128x128xf32, #tpu.memory_space<vmem>>, %arg4: memref<2048x128xi32, #tpu.memory_space<vmem>>, %arg5: memref<2048x128xi32, #tpu.memory_space<vmem>>, %arg6: memref<2x9216x64xf32, #tpu.memory_space<vmem>>, %arg7: memref<2048x128xi32, #tpu.memory_space<vmem>>) attributes {dimension_semantics = [], scalar_prefetch = 0 : i64, scratch_operands = 0 : i64, tpu.core_type = #tpu.core_type<tc>} {
    %get3A = arith.constant 0 : index
    %get3A_0 = arith.constant 0 : index
    %get3A_1 = vector.load %arg3[%get3A, %get3A_0] : memref<128x128xf32, #tpu.memory_space<vmem>>, vector<128x128xf32>
    %mul3A = arith.constant 3.125000e-02 : f32
    %mul3A_2 = vector.broadcast %mul3A : f32 to vector<128x128xf32>
    %mul3A_3 = arith.mulf %get3A_1, %mul3A_2 : vector<128x128xf32>
    %get3A_4 = arith.constant 0 : index
    %get3A_5 = arith.constant 0 : index
    %get3A_6 = arith.constant 0 : index
    %get3A_7 = vector.load %arg0[%get3A_4, %get3A_5, %get3A_6] : memref<8x1024x128xf32, #tpu.memory_space<vmem>>, vector<8x1024x128xf32>
    %get3A_8 = arith.constant 0 : index
    %get3A_9 = arith.constant 0 : index
    %get3A_10 = vector.load %arg1[%get3A_8, %get3A_9] : memref<1024x128xf32, #tpu.memory_space<vmem>>, vector<1024x128xf32>
    %broadcast_in_dim3A = vector.shape_cast %get3A_10 : vector<1024x128xf32> to vector<1x1024x128xf32>
    %add3A = vector.broadcast %broadcast_in_dim3A : vector<1x1024x128xf32> to vector<8x1024x128xf32>
    %add3A_11 = arith.addf %get3A_7, %add3A : vector<8x1024x128xf32>
    %reshape3A = vector.shape_cast %add3A_11 : vector<8x1024x128xf32> to vector<8192x128xf32>
    %iota3A = tpu.iota {dimensions = array<i32: 0>} : vector<1024x128xi32>
    %eq3A = arith.constant 0 : i32
    %eq3A_12 = vector.broadcast %eq3A : i32 to vector<1024x128xi32>
    %eq3A_13 = arith.cmpi eq, %iota3A, %eq3A_12 : vector<1024x128xi32>
    %get3A_14 = arith.constant 0 : index
    %get3A_15 = arith.constant 0 : index
    %get3A_16 = vector.load %arg2[%get3A_14, %get3A_15] : memref<1x128xf32, #tpu.memory_space<vmem>>, vector<1x128xf32>
    %jit3A = arith.constant 0.000000e+00 : f32
    %broadcast_in_dim3A_17 = vector.shape_cast %get3A_16 : vector<1x128xf32> to vector<1x128xf32>
    %broadcast_in_dim3A_18 = vector.broadcast %broadcast_in_dim3A_17 : vector<1x128xf32> to vector<1024x128xf32>
    %broadcast_in_dim3A_19 = vector.broadcast %jit3A : f32 to vector<1024x128xf32>
    %select_n3A = arith.select %eq3A_13, %broadcast_in_dim3A_18, %broadcast_in_dim3A_19 : vector<1024x128xi1>, vector<1024x128xf32>
    %concatenate3A = tpu.concatenate %reshape3A, %select_n3A in 0 : vector<8192x128xf32>, vector<1024x128xf32> -> vector<9216x128xf32>
    %dot_general3A = arith.constant dense<0.000000e+00> : vector<9216x128xf32>
    %dot_general3A_20 = tpu.matmul %concatenate3A, %mul3A_3, %dot_general3A {dimension_numbers = #tpu.dot_dimension_numbers<[1], [1], [0], [0], [0, 0, 1, 0], [], []>, transpose_lhs_hint = false} : vector<9216x128xf32>, vector<128x128xf32>, vector<9216x128xf32> -> vector<9216x128xf32>
    %slice3A = vector.extract_strided_slice %dot_general3A_20 {offsets = [0, 0], sizes = [9216, 64], strides = [1, 1]} : vector<9216x128xf32> to vector<9216x64xf32>
    %swap3A = arith.constant 0 : index
    %swap3A_21 = arith.constant 0 : index
    %swap3A_22 = arith.constant 0 : index
    %swap3A_23 = vector.load %arg6[%swap3A, %swap3A_21, %swap3A_22] : memref<2x9216x64xf32, #tpu.memory_space<vmem>>, vector<1x9216x64xf32>
    %swap3A_24 = vector.shape_cast %swap3A_23 : vector<1x9216x64xf32> to vector<9216x64xf32>
    %swap3A_25 = vector.shape_cast %slice3A : vector<9216x64xf32> to vector<1x9216x64xf32>
    tpu.vector_store %arg6[%swap3A, %swap3A_21, %swap3A_22], %swap3A_25 {strides = array<i32>} : memref<2x9216x64xf32, #tpu.memory_space<vmem>>, vector<1x9216x64xf32>,
    %slice3A_26 = vector.extract_strided_slice %dot_general3A_20 {offsets = [0, 64], sizes = [9216, 64], strides = [1, 1]} : vector<9216x128xf32> to vector<9216x64xf32>
    %swap3A_27 = arith.constant 1 : index
    %swap3A_28 = arith.constant 0 : index
    %swap3A_29 = arith.constant 0 : index
    %swap3A_30 = vector.load %arg6[%swap3A_27, %swap3A_28, %swap3A_29] : memref<2x9216x64xf32, #tpu.memory_space<vmem>>, vector<1x9216x64xf32>
    %swap3A_31 = vector.shape_cast %swap3A_30 : vector<1x9216x64xf32> to vector<9216x64xf32>
    %swap3A_32 = vector.shape_cast %slice3A_26 : vector<9216x64xf32> to vector<1x9216x64xf32>
    tpu.vector_store %arg6[%swap3A_27, %swap3A_28, %swap3A_29], %swap3A_32 {strides = array<i32>} : memref<2x9216x64xf32, #tpu.memory_space<vmem>>, vector<1x9216x64xf32>,
    %get3A_33 = arith.constant 0 : index
    %get3A_34 = arith.constant 0 : index
    %get3A_35 = vector.load %arg4[%get3A_33, %get3A_34] : memref<2048x128xi32, #tpu.memory_space<vmem>>, vector<2048x128xi32>
    %get3A_36 = arith.constant 0 : index
    %get3A_37 = arith.constant 0 : index
    %get3A_38 = vector.load %arg5[%get3A_36, %get3A_37] : memref<2048x128xi32, #tpu.memory_space<vmem>>, vector<2048x128xi32>
    %get3A_39 = arith.constant dense<0> : vector<2048x128xi32>
    %get3A_40 = arith.cmpi ne, %get3A_38, %get3A_39 : vector<2048x128xi32>
    %eq3A_41 = arith.constant 0 : i32
    %eq3A_42 = vector.broadcast %eq3A_41 : i32 to vector<2048x128xi32>
    %eq3A_43 = arith.cmpi eq, %get3A_35, %eq3A_42 : vector<2048x128xi32>
    %sub3A = arith.constant 1 : i32
    %sub3A_44 = vector.broadcast %sub3A : i32 to vector<2048x128xi32>
    %sub3A_45 = arith.subi %get3A_35, %sub3A_44 : vector<2048x128xi32>
    %jit3A_46 = arith.constant 1024 : i32
    %broadcast_in_dim3A_47 = vector.broadcast %jit3A_46 : i32 to vector<2048x128xi32>
    %select_n3A_48 = arith.select %eq3A_43, %broadcast_in_dim3A_47, %sub3A_45 : vector<2048x128xi1>, vector<2048x128xi32>
    %jit3A_49 = arith.constant 1025 : i32
    %broadcast_in_dim3A_50 = vector.broadcast %jit3A_49 : i32 to vector<2048x128xi32>
    %select_n3A_51 = arith.select %get3A_40, %select_n3A_48, %broadcast_in_dim3A_50 : vector<2048x128xi1>, vector<2048x128xi32>
    %swap3A_52 = arith.constant 0 : index
    %swap3A_53 = arith.constant 0 : index
    %swap3A_54 = vector.load %arg7[%swap3A_52, %swap3A_53] : memref<2048x128xi32, #tpu.memory_space<vmem>>, vector<2048x128xi32>
    tpu.vector_store %arg7[%swap3A_52, %swap3A_53], %select_n3A_51 {strides = array<i32>} : memref<2048x128xi32, #tpu.memory_space<vmem>>, vector<2048x128xi32>,
    return
  }
}

</mosaic_0001>

<sc_bundles>
// kernel: kernel.4.cloned.1.call-start
scs
__scs_entry_jumppad:
0x0: {  	(pc) =	sbr.rel $0x88, $3  }
0x1: {  	(tag) =	ssettag $0x0;
	lr =	simm.s32 $0x1  }
0x2: {  	[smem:$0x3F9C] =	sst lr;
	_ =	strace $0xD0000000  }
0x3: {  	_ = 	snop  }
0x4: {  	_ = 	snop  }
0x5: {  	_ = 	snop  }
0x6: {  	_ = 	snop  }
0x7: {  	_ = 	snop  }
__scs_overlays_trampoline_lowered:
0x8: {  	[smem:$0x3FAB] =	sst s0  }
0x9: {  	[smem:$0x3FAC] =	sst s1  }
0xa: {  	[smem:$0x3FAD] =	sst s2  }
0xb: {  	[smem:$0x3FAE] =	sst s3  }
0xc: {  	[smem:$0x3FAF] =	sst s4  }
0xd: {  	[smem:$0x3FB0] =	sst s5  }
0xe: {  	[smem:$0x3FB1] =	sst s6  }
0xf: {  	[smem:$0x3FB2] =	sst s7  }
0x10: {  	[smem:$0x3FB3] =	sst s8  }
0x11: {  	[smem:$0x3FB4] =	sst s9;
	s0 =	simm.s32 @!p0 $0x0  }
0x12: {  	s1 =	sld [smem:$0x3F9A];
	s0 =	simm.s32 @p0 $0x1  }
0x13: {  	[smem:$0x3FB5] =	sst s0;
	s0 =	simm.s32 @!p1 $0x0  }
0x14: {  	s2 =	sld [smem:$0x3F99];
	s0 =	simm.s32 @p1 $0x1  }
0x15: {  	[smem:$0x3FB6] =	sst s0;
	s0 =	simm.s32 @!p2 $0x0  }
0x16: {  	s3 =	sld [smem:$0x3FDB];
	s0 =	simm.s32 @p2 $0x1  }
0x17: {  	s4 =	simm.s32 $0x1BF5;
	[smem:$0x3FB8] =	sst s0  }
0x18: {  	s0 =	sld [smem:$0x3F9B];
	_ =	swait.ge [sflag:s4], $0x0  }
0x19: {  	s7 =	sld [smem:$0x3F9C]  }
0x1a: {  	s8 =	sadd.s32 $0xFFFFE003, lr  }
0x1b: {  	s9 =	sadd.s32 $0xFFFFFEF7, lr;
	s5 =	simm.s32 $0xFFFFFFFF;
	p2 =	slt.u32 s8, $0xFFFFF086  }
0x1c: {  	p1 =	slt.u32 s9, $0xF7A;
	s5 =	simm.s32 @!p2 $0x0  }
0x1d: {  	s5 =	simm.s32 @p1 $0x1;
	p0 =	seq.s32 s7, s2  }
0x1e: {  	s7 =	smul.u32 @!p0 $0xF7A, s2;
	p2 =	seq.s32 @!p0 s5, $0x0  }
0x1f: {  	s9 =	smul.u32 $0xF7A, s1;
	s8 =	simm.s32 @!p0 $0x1BF5;
	p2 =	por !p2, p0  }
0x20: {  	[sflag:s8] =	ssyncset.s32 @!p0 $0xFFFFF086;
	s6 =	sadd.s32 @!p0 s3, s7;
	s7 =	simm.s32 @!p0 $0x108  }
0x21: {  	s3 =	sadd.s32 s3, s9;
	s6 =	sadd.s32 @!p0 $0x88, s6;
	s7 =	simm.s32 @p2 $0x1082  }
0x22: {  	[simem:s7], [sflag:s8] =	dma.local @!p0 [hbm:s6], $0xF7A  }
0x23: {  	s9 =	sor.u32 $0xD0000000, s2;
	s6 =	simm.s32 $0x108;
	_ =	swait.ge @!p0 [sflag:s8], $0x0  }
0x24: {  	s3 =	sadd.s32 $0x88, s3;
	s6 =	simm.s32 @!p1 $0x1082;
	[sflag:s4] =	ssyncset.s32 $0xFFFFF086  }
0x25: {  	[simem:s6], [sflag:s4] =	dma.local [hbm:s3], $0xF7A  }
0x26: {  	[smem:$0x3F9C] =	sst s1;
	(tag) =	ssettag s2;
	_ =	strace s9  }
0x27: {  	s1 =	sld [smem:$0x3FAC]  }
0x28: {  	s2 =	sld [smem:$0x3FAD]  }
0x29: {  	s4 =	sld [smem:$0x3FAF]  }
0x2a: {  	p0 =	seq.s32 s5, $0x0;
	s5 =	sld [smem:$0x3FB0]  }
0x2b: {  	s6 =	sld [smem:$0x3FB1]  }
0x2c: {  	s7 =	sld [smem:$0x3FB2]  }
0x2d: {  	s3 =	simm.s32 $0x108;
	s8 =	sld [smem:$0x3FB3]  }
0x2e: {  	s3 =	simm.s32 @!p0 $0x1082;
	s9 =	sld [smem:$0x3FB4]  }
0x2f: {  	lr =	sadd.s32 s0, s3;
	s0 =	sld [smem:$0x3FAB]  }
0x30: {  	s3 =	sld [smem:$0x3FAE]  }
0x31: {  	[smem:$0x3FB7] =	sst s10  }
0x32: {  	s10 =	sld [smem:$0x3FB5];
	_ =	sdelay $0x3  }
0x33: {  	p0 =	seq.s32 s10, $0x1;
	s10 =	sld [smem:$0x3FB7];
	_ =	sdelay $0x3  }
0x34: {  	[smem:$0x3FB7] =	sst s10  }
0x35: {  	s10 =	sld [smem:$0x3FB6];
	_ =	sdelay $0x3  }
0x36: {  	p1 =	seq.s32 s10, $0x1;
	s10 =	sld [smem:$0x3FB7];
	_ =	sdelay $0x3  }
0x37: {  	[smem:$0x3FB7] =	sst s10  }
0x38: {  	s10 =	sld [smem:$0x3FB8]  }
0x39: {  	_ = 	snop;
	(pc) =	sbr.ind lr, $3  }
0x3a: {  	_ = 	snop  }
0x3b: {  	_ = 	snop  }
0x3c: {  	p2 =	seq.s32 s10, $0x1;
	s10 =	sld [smem:$0x3FB7]  }
0x3d: {  	_ =	shalt  }
0x3e: {  	_ =	shalt  }
0x3f: {  	_ =	shalt  }
0x40: {  	_ =	shalt  }
0x41: {  	_ =	shalt  }
0x42: {  	_ =	shalt  }
0x43: {  	_ =	shalt  }
0x44: {  	_ =	shalt  }
0x45: {  	_ =	shalt  }
0x46: {  	_ =	shalt  }
0x47: {  	_ =	shalt  }
0x48: {  	_ =	shalt  }
0x49: {  	_ =	shalt  }
0x4a: {  	_ =	shalt  }
0x4b: {  	_ =	shalt  }
0x4c: {  	_ =	shalt  }
0x4d: {  	_ =	shalt  }
0x4e: {  	_ =	shalt  }
0x4f: {  	_ =	shalt  }
0x50: {  	_ =	shalt  }
0x51: {  	_ =	shalt  }
0x52: {  	_ =	shalt  }
0x53: {  	_ =	shalt  }
0x54: {  	_ =	shalt  }
0x55: {  	_ =	shalt  }
0x56: {  	_ =	shalt  }
0x57: {  	_ =	shalt  }
0x58: {  	_ =	shalt  }
0x59: {  	_ =	shalt  }
0x5a: {  	_ =	shalt  }
0x5b: {  	_ =	shalt  }
0x5c: {  	_ =	shalt  }
0x5d: {  	_ =	shalt  }
0x5e: {  	_ =	shalt  }
0x5f: {  	_ =	shalt  }
0x60: {  	_ =	shalt  }
0x61: {  	_ =	shalt  }
0x62: {  	_ =	shalt  }
0x63: {  	_ =	shalt  }
0x64: {  	_ =	shalt  }
0x65: {  	_ =	shalt  }
0x66: {  	_ =	shalt  }
0x67: {  	_ =	shalt  }
0x68: {  	_ =	shalt  }
0x69: {  	_ =	shalt  }
0x6a: {  	_ =	shalt  }
0x6b: {  	_ =	shalt  }
0x6c: {  	_ =	shalt  }
0x6d: {  	_ =	shalt  }
0x6e: {  	_ =	shalt  }
0x6f: {  	_ =	shalt  }
0x70: {  	_ =	shalt  }
0x71: {  	_ =	shalt  }
0x72: {  	_ =	shalt  }
0x73: {  	_ =	shalt  }
0x74: {  	_ =	shalt  }
0x75: {  	_ =	shalt  }
0x76: {  	_ =	shalt  }
0x77: {  	_ =	shalt  }
0x78: {  	_ =	shalt  }
0x79: {  	_ =	shalt  }
0x7a: {  	_ =	shalt  }
0x7b: {  	_ =	shalt  }
0x7c: {  	_ =	shalt  }
0x7d: {  	_ =	shalt  }
0x7e: {  	_ =	shalt  }
0x7f: {  	_ =	shalt  }
0x80: {  	_ =	shalt  }
0x81: {  	_ =	shalt  }
0x82: {  	_ =	shalt  }
0x83: {  	_ =	shalt  }
0x84: {  	_ =	shalt  }
0x85: {  	_ =	shalt  }
0x86: {  	_ =	shalt  }
0x87: {  	_ =	shalt  }
.Lfunc_end0:
.L_simem_size_0:
called_computation_lowered:
.L_overlay_start_0:
0x88: {  	s2 =	sld [smem:$0x3FD9]  }
0x89: {  	s3 =	sld [smem:$0x3FFE];
	_ =	sdelay $0x1  }
0x8a: {  	s1 =	srdreg.scid  }
0x8b: {  	s0 =	sand.u32 $0x1, s1  }
0x8c: {  	s17 =	sshll.u32 s0, $0xA;
	s2 =	sadd.s32 s3, s2  }
0x8d: {  	s2 =	sadd.s32 s2, s17  }
0x8e: {  	[smem:$0x3FC3] =	sst s2  }
0x8f: {  	_ = 	snop  }
0x90: {  	s2 =	sld [smem:$0x3FD0];
	(tm) =	ssettm $0x1  }
0x91: {  	s18 =	sld [smem:$0x3FFB];
	_ =	sdelay $0x3  }
0x92: {  	_ =	strace s18  }
0x93: {  	s3 =	sld [smem:$0x3FFC];
	_ =	sdelay $0x3  }
0x94: {  	_ =	strace s3  }
0x95: {  	s3 =	sld [smem:$0x3FFD];
	_ =	sdelay $0x3  }
0x96: {  	_ =	strace s3  }
0x97: {  	_ =	strace $0x8FFFFFFF  }
0x98: {  	s19 =	sld [smem:$0x3FDB];
	_ =	sdelay $0x1  }
0x99: {  	s4 =	simm.s32 $_scs_section_size  }
0x9a: {  	s5 =	simm.s32 $_size__tile_overlayer_lowered;
	s6 =	simm.s32 $_tile_overlayer_lowered  }
0x9b: {  	s22 =	simm.s32 $0x1BFF;
	s21 =	sshll.u32 s6, $0x1;
	s3 =	sadd.s32 s4, s19  }
0x9c: {  	s7 =	simm.s32 $0x0;
	s20 =	sshll.u32 s5, $0x1;
	s5 =	sadd.s32 s21, s3  }
0x9d: {  	[timem:s7], [sflag:s22] =	dma.local [hbm:s5], s20  }
0x9e: {  	_ =	swait.ge [sflag:s22], s20  }
0x9f: {  	s4 =	ssub.s32 $0x0, s20;
	[sflag:s22] =	ssyncset.done $0x0  }
0xa0: {  	[sflag:s22] =	ssyncadd.s32 s4;
	_ =	sdelay $0x1  }
0xa1: {  	s23 =	simm.s32 $0x1B8B  }
0xa2: {  	_ =	swait.ge [sflag:s23], $0x1  }
0xa3: {  	[sflag:s23] =	ssyncset.done $0x0  }
0xa4: {  	s25 =	simm.s32 $0x1B8E;
	s24 =	sld [smem:$0x3FFE];
	[sflag:s23] =	ssyncadd.s32 $0xFFFFFFFF  }
0xa5: {  	s26 =	simm.s32 $execute0_lowered;
	[smem:$0x3FD2] =	sst s25  }
0xa6: {  	s5 =	sshll.u32 s26, $0x1;
	_ =	strace $0x80000046;
	[dreg:$0x1] =	wrdreg $0xFFFFFFFF  }
0xa7: {  	s28 =	simm.s32 $_size_execute0_lowered;
	s3 =	sadd.s32 s3, s5;
	[dreg:$0x0] =	wrdreg $0x0  }
0xa8: {  	s5 =	sshll.u32 s28, $0x1;
	[dreg:$0x2] =	wrdreg s3  }
0xa9: {  	[dreg:$0x3] =	wrdreg s5  }
0xaa: {  	[dreg:$0x4] =	wrdreg $0xC0  }
0xab: {  	_ =	task [dreg:s7], $0x5FFFF  }
0xac: {  	[dreg:$0x1] =	wrdreg $0xFFFFFFFF  }
0xad: {  	[dreg:$0x0] =	wrdreg $0x60  }
0xae: {  	[dreg:$0x2] =	wrdreg s24  }
0xaf: {  	[dreg:$0x3] =	wrdreg s2  }
0xb0: {  	[dreg:$0x4] =	wrdreg $0x9  }
0xb1: {  	_ =	task.clear_ibuf [dreg:s7], $0x5FFFF;
	_ =	strace $0x90000046  }
0xb2: {  	s29 =	simm.s32 $0x9;
	_ =	strace $0x80000048  }
0xb3: {  	_ =	swait.ge [sflag:s29], $0x1  }
0xb4: {  	[sflag:s29] =	ssyncadd.s32 $0xFFFFFFFF  }
0xb5: {  	_ =	strace $0x90000048  }
0xb6: {  	_ =	sfence  }
0xb7: {  	s30 =	sld [smem:$0x0];
	_ =	sdelay $0x2  }
0xb8: {  	s31 =	sshll.u32 s1, $0xD;
	s1 =	sshrl.u32 s1, $0x2  }
0xb9: {  	s3 =	sand.u32 $0x4000, s31;
	s1 =	sadd.s32 s1, s30  }
0xba: {  	s0 =	sor.u32 s3, s0;
	s1 =	sshll.u32 s1, $0x11  }
0xbb: {  	s0 =	sor.u32 s1, s0  }
0xbc: {  	s0 =	sadd.s32 $0x8F2B, s0  }
0xbd: {  	[sflag:s0] =	ssyncadd.remote.s32 $0x1  }
0xbe: {  	_ =	sfence.sel $0xFFFF  }
0xbf: {  	[dreg:$0x0] =	wrdreg $0xFFFFFFFF;
	(pc) =	sbr.abs _section_cstart, $3  }
0xc0: {  	[dreg:$0x1] =	wrdreg $0xFFFFFFFF  }
0xc1: {  	_ =	task.clear_ibuf [dreg:s7], $0x2FFFF;
	_ =	strace $0x9FFFFFFF  }
0xc2: {  	(tm) =	ssettm $0x7FFFFFFF  }
0xc3: {  	_ =	shalt  }
tec
execute0_lowered:
.L_overlay_start_1:
0x0: {  	(tag) =	ssettag $0x1  }
0x1: {  	s3 =	rddreg [dreg:$0x0]  }
0x2: {  	s6 =	rddreg [dreg:$0x1]  }
0x3: {  	s0 =	rddreg [dreg:$0x2];
	s2 =	simm.s32 $0x0;
	s1 =	stileid.u32  }
0x4: {  	s4 =	srdreg.scid;
	s13 =	simm.s32 $0x3;
	s14 =	simm.s32 $0x0  }
0x5: {  	[smem:$0x7FF] =	sst s2;
	s5 =	sshll.u32 s1, $0x1;
	s4 =	sand.u32 $0x1, s4  }
0x6: {  	s7 =	sadd.s32 $0x9000, s3;
	s8 =	sshrl.u32 s1, $0x3;
	s5 =	sand.u32 $0xE, s5  }
0x7: {  	_ =	strace $0x80000047;
	s9 =	smul.u32 $0x90000, s8;
	s5 =	sor.u32 s4, s5  }
0x8: {  	s8 =	sshll.u32 s8, $0x13;
	s4 =	ssub.s32 $0x2, s4;
	s10 =	sshll.u32 s5, $0xF  }
0x9: {  	s5 =	sshll.u32 s5, $0xB;
	s11 =	sshrl.u32 s4, $0x1;
	s30 =	sshrl.u32 s9, $0x3  }
0xa: {  	v29 =	vlaneseq.u32;
	v54 =	vimm.s32 $0x6;
	v59 =	vimm.s32 $0x1;
	s12 =	sand.u32 $0x70000, s10;
	s5 =	sadd.s32 s5, s3;
	s11 =	ssub.s32 s4, s11  }
0xb: {  	v60 =	vimm.s32 $0x2;
	v57 =	vimm.s32 $0x3;
	v55 =	vimm.s32 $0x4;
	s4 =	sadd.s32 s7, s30;
	s31 =	sor.u32 s8, s10;
	s8 =	simm.s32 $0x10000  }
0xc: {  	v56 =	vimm.s32 $0x5;
	v48 =	vimm.s32 $0x7;
	v42 =	vimm.s32 $0x8;
	s10 =	simm.s32 $0x2;
	s29 =	sadd.s32 s9, s12;
	s4 =	sadd.s32 $0x10000, s4  }
0xd: {  	v41 =	vimm.s32 $0x9;
	v1 =	vimm.s32 $0xA;
	v14 =	vimm.s32 $0xB;
	s5 =	sadd.s32 $0x1000, s5;
	s9 =	simm.s32 $0x10080;
	s3 =	sshrl.u32 s29, $0x3  }
0xe: {  	v15 =	vimm.s32 $0xC;
	v16 =	vimm.s32 $0xD;
	v18 =	vimm.s32 $0xE;
	s12 =	simm.s32 $0x14080;
	s3 =	sadd.s32 s7, s3;
	s7 =	sshrl.u32 s31, $0x3  }
0xf: {  	v3 =	vor.u32 $0x10, v29;
	v4 =	vor.u32 $0x20, v29;
	v5 =	vor.u32 $0x30, v29;
	s6 =	sadd.s32 s6, s7;
	s7 =	smax.u32 s11, $0x1;
	s11 =	simm.s32 $0x1  }
.LBB2_1:
0x10: {  	[tilespmem:s2], [sflag:$0x1] =	stream.linear.gather [hbm4b:s3+s2], $0x10000, $0x38;
	[tilespmem:$0x1C080] =	vst v63  }
0x11: {  	_ = 	snop  }
0x12: {  	[tilespmem:s8], [sflag:$0x1] =	stream.linear.gather [hbm4b:s4+s2], $0x80, $0x38;
	[tilespmem:$0x1C080] =	vst v63  }
0x13: {  	_ = 	snop  }
0x14: {  	[tilespmem:s9], [sflag:$0x2] =	stream.linear.gather [hbm4b:s5+s2], $0x4000, $0x38;
	[tilespmem:$0x1C080] =	vst v63  }
0x15: {  	_ =	swait.ge [sflag:s10], $0x4000  }
0x16: {  	[sflag:s10] =	ssyncset.done $0x0  }
0x17: {  	[sflag:s10] =	ssyncadd.s32 $0xFFFFC000  }
0x18: {  	_ =	swait.ge [sflag:s11], $0x10080  }
0x19: {  	[sflag:s11] =	ssyncset.done $0x0  }
0x1a: {  	s15 =	simm.s32 $0x140A0;
	s16 =	simm.s32 $0x0;
	[sflag:s11] =	ssyncadd.s32 $0xFFFEFF80  }
.LBB2_2:
0x1b: {  	s17 =	sshra.s32 s16, $0x2  }
0x1c: {  	v21 =	vld [tilespmem:s17+$0x10080];
	_ =	sdelay $0x3  }
0x1d: {  	v0 =	vimm.s32 $0x0  }
0x1e: {  	v0 =	vperm.xlane v21, v0;
	_ =	sdelay $0x1  }
0x1f: {  	v0 =	vshll.u32 v0, $0x6  }
0x20: {  	v7 =	vperm.xlane v21, v59;
	v2 =	vor.u32 v29, v0  }
0x21: {  	v6 =	vor.u32 v3, v0  }
0x22: {  	v23 =	vperm.xlane v21, v57;
	v7 =	vshll.u32 v7, $0x6;
	v8 =	vor.u32 v4, v0  }
0x23: {  	v20 =	vor.u32 v29, v7  }
0x24: {  	v25 =	vperm.xlane v21, v55;
	v23 =	vshll.u32 v23, $0x6;
	v22 =	vor.u32 v3, v7  }
0x25: {  	v9 =	vor.u32 v5, v0;
	v24 =	vor.u32 v29, v23;
	v0 =	vld.idx.msk [tilespmem:v2+s2+$0x0], $0xffff  }
0x26: {  	v36 =	vshll.u32 v25, $0x6;
	v35 =	vor.u32 v5, v23;
	v2 =	vperm.xlane v21, v60;
	v51 =	vld.idx.msk [tilespmem:v6+s2+$0x0], $0xffff  }
0x27: {  	v25 =	vor.u32 v29, v36;
	v10 =	vld.idx.msk [tilespmem:v8+s2+$0x0], $0xffff  }
0x28: {  	v37 =	vor.u32 v3, v36;
	v11 =	vld.idx.msk [tilespmem:v20+s2+$0x0], $0xffff;
	v26 =	vshll.u32 v2, $0x6  }
0x29: {  	v12 =	vld.idx.msk [tilespmem:v22+s2+$0x0], $0xffff;
	v20 =	vor.u32 v3, v26  }
0x2a: {  	v27 =	vor.u32 v4, v36;
	v52 =	vld.idx.msk [tilespmem:v24+s2+$0x0], $0xffff  }
0x2b: {  	v53 =	vld.idx.msk [tilespmem:v35+s2+$0x0], $0xffff  }
0x2c: {  	v34 =	vor.u32 v3, v23;
	v61 =	vld.idx.msk [tilespmem:v25+s2+$0x0], $0xffff  }
0x2d: {  	v6 =	vor.u32 v4, v7;
	v62 =	vld.idx.msk [tilespmem:v37+s2+$0x0], $0xffff  }
0x2e: {  	v59 =	vld.idx.msk [tilespmem:v20+s2+$0x0], $0xffff;
	v20 =	vor.u32 v4, v23  }
0x2f: {  	v7 =	vor.u32 v5, v7;
	v45 =	vld.idx.msk [tilespmem:v27+s2+$0x0], $0xffff  }
0x30: {  	v27 =	vperm.xlane v21, v48;
	v2 =	vld.idx.msk [tilespmem:v9+s2+$0x0], $0xffff;
	v32 =	vor.u32 v29, v26  }
0x31: {  	v9 =	vld.idx.msk [tilespmem:v34+s2+$0x0], $0xffff;
	v33 =	vor.u32 v4, v26  }
0x32: {  	v34 =	vshll.u32 v27, $0x6;
	v27 =	vperm.xlane v21, v42;
	v8 =	vor.u32 v5, v26;
	v58 =	vld.idx.msk [tilespmem:v6+s2+$0x0], $0xffff  }
0x33: {  	v26 =	vperm.xlane v21, v56;
	v60 =	vld.idx.msk [tilespmem:v20+s2+$0x0], $0xffff;
	v20 =	vor.u32 v5, v36  }
0x34: {  	v35 =	vor.u32 v29, v34;
	v44 =	vshll.u32 v27, $0x6;
	v13 =	vld.idx.msk [tilespmem:v7+s2+$0x0], $0xffff  }
0x35: {  	v43 =	vperm.xlane v21, v54;
	v38 =	vshll.u32 v26, $0x6;
	v22 =	vor.u32 v5, v44;
	v6 =	vld.idx.msk [tilespmem:v32+s2+$0x0], $0xffff  }
0x36: {  	v39 =	vor.u32 v29, v38;
	v7 =	vld.idx.msk [tilespmem:v33+s2+$0x0], $0xffff  }
0x37: {  	v26 =	vshll.u32 v43, $0x6;
	v40 =	vor.u32 v3, v38;
	v8 =	vld.idx.msk [tilespmem:v8+s2+$0x0], $0xffff  }
0x38: {  	v63 =	vld.idx.msk [tilespmem:v20+s2+$0x0], $0xffff;
	v20 =	vor.u32 v29, v26  }
0x39: {  	v49 =	vor.u32 v4, v38;
	v48 =	vld.idx.msk [tilespmem:v35+s2+$0x0], $0xffff  }
0x3a: {  	v50 =	vor.u32 v3, v26;
	v43 =	vld.idx.msk [tilespmem:v22+s2+$0x0], $0xffff  }
0x3b: {  	v33 =	vor.u32 v5, v26;
	v54 =	vld.idx.msk [tilespmem:v39+s2+$0x0], $0xffff  }
0x3c: {  	v23 =	vor.u32 v5, v38;
	v38 =	vor.u32 v4, v34;
	v46 =	vld.idx.msk [tilespmem:v40+s2+$0x0], $0xffff  }
0x3d: {  	v39 =	vld.idx.msk [tilespmem:v20+s2+$0x0], $0xffff;
	v20 =	vor.u32 v3, v34  }
0x3e: {  	v25 =	vor.u32 v5, v34;
	v55 =	vld.idx.msk [tilespmem:v49+s2+$0x0], $0xffff  }
0x3f: {  	v57 =	vld.idx.msk [tilespmem:v50+s2+$0x0], $0xffff  }
0x40: {  	v27 =	vperm.xlane v21, v41;
	v40 =	vld.idx.msk [tilespmem:v33+s2+$0x0], $0xffff;
	v36 =	vor.u32 v29, v44  }
0x41: {  	v37 =	vor.u32 v3, v44;
	v33 =	vld.idx.msk [tilespmem:v38+s2+$0x0], $0xffff  }
0x42: {  	v38 =	vshll.u32 v27, $0x6;
	v49 =	vld.idx.msk [tilespmem:v20+s2+$0x0], $0xffff;
	v20 =	vor.u32 v4, v44  }
0x43: {  	v50 =	vld.idx.msk [tilespmem:v25+s2+$0x0], $0xffff;
	v25 =	vor.u32 v29, v38  }
0x44: {  	v32 =	vor.u32 v4, v26;
	v56 =	vld.idx.msk [tilespmem:v23+s2+$0x0], $0xffff;
	v27 =	vperm.xlane v21, v1  }
0x45: {  	v28 =	vperm.xlane v21, v15;
	v24 =	vor.u32 v3, v38;
	v41 =	vld.idx.msk [tilespmem:v36+s2+$0x0], $0xffff;
	v36 =	vor.u32 v4, v38  }
0x46: {  	v34 =	vld.idx.msk [tilespmem:v37+s2+$0x0], $0xffff;
	v37 =	vshll.u32 v27, $0x6;
	v27 =	vperm.xlane v21, v14;
	v14 =	vperm.xlane v21, v16  }
0x47: {  	v28 =	vshll.u32 v28, $0x6;
	v42 =	vld.idx.msk [tilespmem:v20+s2+$0x0], $0xffff;
	v20 =	vor.u32 v5, v38  }
0x48: {  	v15 =	vor.u32 v5, v28;
	v1 =	vld.idx.msk [tilespmem:v25+s2+$0x0], $0xffff;
	v14 =	vshll.u32 v14, $0x6  }
0x49: {  	v47 =	vld.idx.msk [tilespmem:v32+s2+$0x0], $0xffff;
	v16 =	vor.u32 v29, v14  }
0x4a: {  	v35 =	vld.idx.msk [tilespmem:v36+s2+$0x0], $0xffff;
	v25 =	vor.u32 v3, v37  }
0x4b: {  	v26 =	vshll.u32 v27, $0x6;
	v44 =	vld.idx.msk [tilespmem:v24+s2+$0x0], $0xffff;
	v24 =	vor.u32 v4, v37  }
0x4c: {  	v30 =	vld.idx.msk [tilespmem:v20+s2+$0x0], $0xffff;
	v20 =	vor.u32 v29, v26  }
0x4d: {  	[tilespmem:$0x1FFE0] =	vst v1;
	v1 =	vld.idx.msk [tilespmem:v15+s2+$0x0], $0xffff;
	v22 =	vor.u32 v3, v26  }
0x4e: {  	v16 =	vld.idx.msk [tilespmem:v16+s2+$0x0], $0xffff;
	v38 =	vor.u32 v29, v37  }
0x4f: {  	v23 =	vor.u32 v5, v37;
	v37 =	vld.idx.msk [tilespmem:v25+s2+$0x0], $0xffff  }
0x50: {  	v25 =	vor.u32 v4, v26;
	v27 =	vld.idx.msk [tilespmem:v24+s2+$0x0], $0xffff  }
0x51: {  	v0 =	vadd.f32 $0.0e+00, v0;
	v31 =	vld.idx.msk [tilespmem:v20+s2+$0x0], $0xffff;
	v20 =	vor.u32 v3, v28  }
0x52: {  	v19 =	vadd.f32 $0.0e+00, v51;
	v10 =	vadd.f32 $0.0e+00, v10;
	v24 =	vld.idx.msk [tilespmem:v22+s2+$0x0], $0xffff;
	v26 =	vor.u32 v5, v26  }
0x53: {  	v2 =	vadd.f32 $0.0e+00, v2;
	v11 =	vadd.f32 v11, v0;
	v22 =	vor.u32 v4, v28;
	v36 =	vld.idx.msk [tilespmem:v38+s2+$0x0], $0xffff  }
0x54: {  	v19 =	vadd.f32 v12, v19;
	v10 =	vadd.f32 v58, v10;
	v38 =	vld.idx.msk [tilespmem:v23+s2+$0x0], $0xffff  }
0x55: {  	v2 =	vadd.f32 v13, v2;
	v6 =	vadd.f32 v6, v11;
	v17 =	vor.u32 v3, v14;
	v32 =	vld.idx.msk [tilespmem:v25+s2+$0x0], $0xffff  }
0x56: {  	v19 =	vadd.f32 v59, v19;
	v23 =	vor.u32 v29, v28;
	v25 =	vld.idx.msk [tilespmem:v20+s2+$0x0], $0xffff;
	v20 =	vperm.xlane v21, v18  }
0x57: {  	v7 =	vadd.f32 v7, v10;
	v2 =	vadd.f32 v8, v2;
	v28 =	vld.idx.msk [tilespmem:v26+s2+$0x0], $0xffff;
	v18 =	vor.u32 v4, v14  }
0x58: {  	v6 =	vadd.f32 v52, v6;
	v26 =	vld.idx.msk [tilespmem:v22+s2+$0x0], $0xffff;
	v14 =	vor.u32 v5, v14;
	v15 =	vshll.u32 v20, $0x6  }
0x59: {  	v9 =	vadd.f32 v9, v19;
	v22 =	vimm.s32 $0xF;
	v20 =	vld [tilespmem:s17+$0x10090];
	v51 =	vor.u32 v29, v15  }
0x5a: {  	v59 =	vimm.s32 $0x1;
	[tilespmem:$0x1FFF0] =	vst v1;
	v0 =	vld.idx.msk [tilespmem:v17+s2+$0x0], $0xffff;
	v21 =	vperm.xlane v21, v22;
	v1 =	vor.u32 v3, v15  }
0x5b: {  	v2 =	vadd.f32 v53, v2;
	v6 =	vadd.f32 v61, v6;
	v23 =	vld.idx.msk [tilespmem:v23+s2+$0x0], $0xffff;
	v17 =	vor.u32 v4, v15  }
0x5c: {  	v9 =	vadd.f32 v62, v9;
	v15 =	vor.u32 v5, v15;
	v12 =	vld.idx.msk [tilespmem:v18+s2+$0x0], $0xffff;
	v18 =	vshll.u32 v21, $0x6  }
0x5d: {  	v7 =	vadd.f32 v60, v7;
	v60 =	vimm.s32 $0x2;
	v13 =	vld.idx.msk [tilespmem:v14+s2+$0x0], $0xffff;
	v14 =	vor.u32 v29, v18  }
0x5e: {  	v22 =	vimm.s32 $0x0;
	v21 =	vor.u32 v3, v18;
	v58 =	vperm.xlane v20, v59;
	v11 =	vld.idx.msk [tilespmem:v51+s2+$0x0], $0xffff  }
0x5f: {  	v6 =	vadd.f32 v54, v6;
	v10 =	vor.u32 v4, v18;
	v51 =	vperm.xlane v20, v22;
	v1 =	vld.idx.msk [tilespmem:v1+s2+$0x0], $0xffff  }
0x60: {  	v9 =	vadd.f32 v46, v9;
	v8 =	vld.idx.msk [tilespmem:v17+s2+$0x0], $0xffff;
	v17 =	vor.u32 v5, v18;
	v52 =	vshll.u32 v58, $0x6  }
0x61: {  	v7 =	vadd.f32 v45, v7;
	v15 =	vld.idx.msk [tilespmem:v15+s2+$0x0], $0xffff;
	v18 =	vshll.u32 v51, $0x6;
	v62 =	vor.u32 v29, v52  }
0x62: {  	v2 =	vadd.f32 v63, v2;
	v63 =	vperm.xlane v20, v60;
	v14 =	vld.idx.msk [tilespmem:v14+s2+$0x0], $0xffff;
	v51 =	vor.u32 v3, v18  }
0x63: {  	v9 =	vadd.f32 v57, v9;
	v7 =	vadd.f32 v55, v7;
	v54 =	vor.u32 v3, v52;
	v21 =	vld.idx.msk [tilespmem:v21+s2+$0x0], $0xffff  }
0x64: {  	v2 =	vadd.f32 v56, v2;
	v22 =	vshll.u32 v63, $0x6;
	v61 =	vor.u32 v4, v18;
	v10 =	vld.idx.msk [tilespmem:v10+s2+$0x0], $0xffff  }
0x65: {  	v57 =	vimm.s32 $0x3;
	v7 =	vadd.f32 v47, v7;
	v47 =	vor.u32 v3, v22;
	v17 =	vld.idx.msk [tilespmem:v17+s2+$0x0], $0xffff  }
0x66: {  	v55 =	vimm.s32 $0x4;
	v2 =	vadd.f32 v40, v2;
	v63 =	vor.u32 v4, v22;
	v45 =	vld.idx.msk [tilespmem:v62+s2+$0x0], $0xffff  }
0x67: {  	v6 =	vadd.f32 v39, v6;
	v9 =	vadd.f32 v49, v9;
	v46 =	vld.idx.msk [tilespmem:v51+s2+$0x0], $0xffff;
	v51 =	vor.u32 v4, v52  }
0x68: {  	v7 =	vadd.f32 v33, v7;
	v2 =	vadd.f32 v50, v2;
	v40 =	vld.idx.msk [tilespmem:v54+s2+$0x0], $0xffff;
	v52 =	vor.u32 v5, v52  }
0x69: {  	v6 =	vadd.f32 v48, v6;
	v9 =	vadd.f32 v34, v9;
	v53 =	vld.idx.msk [tilespmem:v61+s2+$0x0], $0xffff;
	v61 =	vor.u32 v29, v22  }
0x6a: {  	v56 =	vimm.s32 $0x5;
	v2 =	vadd.f32 v43, v2;
	v7 =	vadd.f32 v42, v7;
	v34 =	vld.idx.msk [tilespmem:v47+s2+$0x0], $0xffff  }
0x6b: {  	v9 =	vadd.f32 v44, v9;
	v19 =	vor.u32 v29, v18;
	v62 =	vperm.xlane v20, v57;
	v43 =	vld.idx.msk [tilespmem:v63+s2+$0x0], $0xffff  }
0x6c: {  	v6 =	vadd.f32 v41, v6;
	v7 =	vadd.f32 v35, v7;
	v18 =	vor.u32 v5, v18;
	v49 =	vld.idx.msk [tilespmem:v51+s2+$0x0], $0xffff  }
0x6d: {  	v9 =	vadd.f32 v37, v9;
	v51 =	vor.u32 v5, v22;
	v22 =	vshll.u32 v62, $0x6;
	v33 =	vld.idx.msk [tilespmem:v52+s2+$0x0], $0xffff  }
0x6e: {  	v7 =	vadd.f32 v27, v7;
	v2 =	vadd.f32 v30, v2;
	v39 =	vld.idx.msk [tilespmem:v61+s2+$0x0], $0xffff;
	v58 =	vor.u32 v29, v22  }
0x6f: {  	v9 =	vadd.f32 v24, v9;
	v61 =	vperm.xlane v20, v55;
	v52 =	vld [tilespmem:$0x1FFE0];
	v41 =	vor.u32 v3, v22  }
0x70: {  	v7 =	vadd.f32 v32, v7;
	v2 =	vadd.f32 v38, v2;
	v19 =	vld.idx.msk [tilespmem:v19+s2+$0x0], $0xffff;
	v62 =	vor.u32 v4, v22  }
0x71: {  	v9 =	vadd.f32 v25, v9;
	v18 =	vld.idx.msk [tilespmem:v18+s2+$0x0], $0xffff;
	v47 =	vor.u32 v5, v22;
	v63 =	vshll.u32 v61, $0x6  }
0x72: {  	v48 =	vimm.s32 $0x7;
	v7 =	vadd.f32 v26, v7;
	v61 =	vor.u32 v4, v63;
	v44 =	vld.idx.msk [tilespmem:v51+s2+$0x0], $0xffff  }
0x73: {  	v2 =	vadd.f32 v28, v2;
	v0 =	vadd.f32 v0, v9;
	v51 =	vor.u32 v29, v63;
	v35 =	vld.idx.msk [tilespmem:v58+s2+$0x0], $0xffff  }
0x74: {  	v7 =	vadd.f32 v12, v7;
	v6 =	vadd.f32 v52, v6;
	v58 =	vperm.xlane v20, v56;
	v30 =	vld.idx.msk [tilespmem:v41+s2+$0x0], $0xffff  }
0x75: {  	v0 =	vadd.f32 v1, v0;
	v54 =	vimm.s32 $0x6;
	v50 =	vor.u32 v3, v63;
	v37 =	vld.idx.msk [tilespmem:v62+s2+$0x0], $0xffff  }
0x76: {  	v22 =	vor.u32 v5, v63;
	v27 =	vld.idx.msk [tilespmem:v47+s2+$0x0], $0xffff;
	v6 =	vadd.f32 v36, v6;
	v62 =	vshll.u32 v58, $0x6  }
0x77: {  	v0 =	vadd.f32 v21, v0;
	v52 =	vperm.xlane v20, v54;
	v28 =	vld.idx.msk [tilespmem:v61+s2+$0x0], $0xffff;
	v63 =	vor.u32 v29, v62  }
0x78: {  	v1 =	vadd.f32 v8, v7;
	v6 =	vadd.f32 v31, v6;
	v47 =	vor.u32 v3, v62;
	v31 =	vld.idx.msk [tilespmem:v51+s2+$0x0], $0xffff  }
0x79: {  	v0 =	vadd.f32 v46, v0;
	v61 =	vshll.u32 v52, $0x6;
	v58 =	vor.u32 v4, v62;
	v51 =	vld [tilespmem:$0x1FFF0]  }
0x7a: {  	v1 =	vadd.f32 v10, v1;
	v24 =	vld.idx.msk [tilespmem:v50+s2+$0x0], $0xffff;
	v36 =	vor.u32 v5, v62;
	v62 =	vor.u32 v29, v61  }
0x7b: {  	v42 =	vimm.s32 $0x8;
	v0 =	vadd.f32 v40, v0;
	v6 =	vadd.f32 v23, v6;
	v23 =	vld.idx.msk [tilespmem:v22+s2+$0x0], $0xffff  }
0x7c: {  	v1 =	vadd.f32 v53, v1;
	v50 =	vperm.xlane v20, v48;
	v26 =	vld.idx.msk [tilespmem:v63+s2+$0x0], $0xffff;
	v63 =	vor.u32 v3, v61  }
0x7d: {  	v0 =	vadd.f32 v34, v0;
	v52 =	vor.u32 v4, v61;
	v6 =	vadd.f32 v16, v6;
	v16 =	vld.idx.msk [tilespmem:v47+s2+$0x0], $0xffff  }
0x7e: {  	v41 =	vshll.u32 v50, $0x6;
	v9 =	vld.idx.msk [tilespmem:v58+s2+$0x0], $0xffff;
	v58 =	vor.u32 v5, v61;
	v2 =	vadd.f32 v51, v2  }
0x7f: {  	v61 =	vor.u32 v3, v41;
	v6 =	vadd.f32 v11, v6;
	v11 =	vld.idx.msk [tilespmem:v62+s2+$0x0], $0xffff;
	v62 =	vperm.xlane v20, v42  }
0x80: {  	v1 =	vadd.f32 v49, v1;
	v12 =	vld.idx.msk [tilespmem:v36+s2+$0x0], $0xffff;
	v2 =	vadd.f32 v13, v2;
	v13 =	vor.u32 v29, v41  }
0x81: {  	v47 =	vor.u32 v5, v41;
	v36 =	vshll.u32 v62, $0x6;
	v6 =	vadd.f32 v14, v6;
	v7 =	vld.idx.msk [tilespmem:v63+s2+$0x0], $0xffff  }
0x82: {  	v62 =	vimm.s32 $0xA;
	v50 =	vor.u32 v29, v36;
	v2 =	vadd.f32 v15, v2;
	v15 =	vld.idx.msk [tilespmem:v52+s2+$0x0], $0xffff  }
0x83: {  	v38 =	vperm.xlane v20, v62;
	v63 =	vor.u32 v4, v41;
	v14 =	vld.idx.msk [tilespmem:v58+s2+$0x0], $0xffff;
	v6 =	vadd.f32 v19, v6  }
0x84: {  	v41 =	vimm.s32 $0x9;
	v19 =	vor.u32 v4, v36;
	v2 =	vadd.f32 v17, v2;
	v17 =	vld.idx.msk [tilespmem:v61+s2+$0x0], $0xffff  }
0x85: {  	v52 =	vor.u32 v5, v36;
	v51 =	vperm.xlane v20, v41;
	v6 =	vadd.f32 v45, v6;
	v10 =	vld.idx.msk [tilespmem:v13+s2+$0x0], $0xffff  }
0x86: {  	v45 =	vshll.u32 v38, $0x6;
	v13 =	vor.u32 v3, v36;
	v2 =	vadd.f32 v18, v2;
	v18 =	vld.idx.msk [tilespmem:v47+s2+$0x0], $0xffff  }
0x87: {  	v1 =	vadd.f32 v43, v1;
	v0 =	vadd.f32 v30, v0;
	v46 =	vor.u32 v29, v45;
	v21 =	vld.idx.msk [tilespmem:v50+s2+$0x0], $0xffff  }
0x88: {  	v32 =	vshll.u32 v51, $0x6;
	v38 =	vor.u32 v3, v45;
	v6 =	vadd.f32 v39, v6;
	v8 =	vld.idx.msk [tilespmem:v63+s2+$0x0], $0xffff  }
0x89: {  	v1 =	vadd.f32 v37, v1;
	v58 =	vor.u32 v29, v32;
	v19 =	vld.idx.msk [tilespmem:v19+s2+$0x0], $0xffff  }
0x8a: {  	v0 =	vadd.f32 v24, v0;
	v61 =	vor.u32 v3, v32;
	v25 =	vld.idx.msk [tilespmem:v52+s2+$0x0], $0xffff;
	v6 =	vadd.f32 v35, v6  }
0x8b: {  	v1 =	vadd.f32 v28, v1;
	v47 =	vimm.s32 $0xB;
	v63 =	vor.u32 v4, v32;
	v13 =	vld.idx.msk [tilespmem:v13+s2+$0x0], $0xffff  }
0x8c: {  	v32 =	vor.u32 v5, v32;
	v39 =	vperm.xlane v20, v47;
	v6 =	vadd.f32 v31, v6;
	v31 =	vld.idx.msk [tilespmem:v46+s2+$0x0], $0xffff  }
0x8d: {  	v0 =	vadd.f32 v16, v0;
	v2 =	vadd.f32 v33, v2;
	v33 =	vor.u32 v5, v45;
	v53 =	vld.idx.msk [tilespmem:v38+s2+$0x0], $0xffff  }
0x8e: {  	v49 =	vor.u32 v4, v45;
	v52 =	vimm.s32 $0xC;
	v39 =	vshll.u32 v39, $0x6;
	v22 =	vld.idx.msk [tilespmem:v58+s2+$0x0], $0xffff  }
0x8f: {  	v37 =	vperm.xlane v20, v52;
	v2 =	vadd.f32 v44, v2;
	v50 =	vor.u32 v29, v39;
	v35 =	vld.idx.msk [tilespmem:v61+s2+$0x0], $0xffff  }
0x90: {  	v1 =	vadd.f32 v9, v1;
	v51 =	vor.u32 v3, v39;
	v28 =	vor.u32 v4, v39;
	v30 =	vld.idx.msk [tilespmem:v63+s2+$0x0], $0xffff  }
0x91: {  	v37 =	vshll.u32 v37, $0x6;
	v44 =	vimm.s32 $0xE;
	v2 =	vadd.f32 v27, v2;
	v27 =	vld.idx.msk [tilespmem:v32+s2+$0x0], $0xffff  }
0x92: {  	v1 =	vadd.f32 v15, v1;
	v61 =	vor.u32 v29, v37;
	v34 =	vperm.xlane v20, v44;
	v16 =	vld.idx.msk [tilespmem:v33+s2+$0x0], $0xffff  }
0x93: {  	v58 =	vor.u32 v5, v39;
	v63 =	vor.u32 v3, v37;
	v2 =	vadd.f32 v23, v2;
	v23 =	vld.idx.msk [tilespmem:v49+s2+$0x0], $0xffff  }
0x94: {  	v6 =	vadd.f32 v26, v6;
	v1 =	vadd.f32 v8, v1;
	v47 =	vshll.u32 v34, $0x6;
	v62 =	vld.idx.msk [tilespmem:v50+s2+$0x0], $0xffff  }
0x95: {  	v0 =	vadd.f32 v7, v0;
	v38 =	vimm.s32 $0xD;
	v49 =	vor.u32 v29, v47;
	v39 =	vld.idx.msk [tilespmem:v51+s2+$0x0], $0xffff  }
0x96: {  	v6 =	vadd.f32 v11, v6;
	v1 =	vadd.f32 v19, v1;
	v19 =	vor.u32 v3, v47;
	v7 =	vld.idx.msk [tilespmem:v28+s2+$0x0], $0xffff  }
0x97: {  	v33 =	vperm.xlane v20, v38;
	v28 =	vor.u32 v5, v37;
	v2 =	vadd.f32 v12, v2;
	v40 =	vld.idx.msk [tilespmem:v61+s2+$0x0], $0xffff  }
0x98: {  	v0 =	vadd.f32 v17, v0;
	v51 =	vor.u32 v4, v47;
	v6 =	vadd.f32 v10, v6;
	v45 =	vld.idx.msk [tilespmem:v63+s2+$0x0], $0xffff  }
0x99: {  	v33 =	vshll.u32 v33, $0x6;
	v12 =	vor.u32 v4, v37;
	v2 =	vadd.f32 v14, v2;
	v14 =	vld.idx.msk [tilespmem:v58+s2+$0x0], $0xffff  }
0x9a: {  	v46 =	vimm.s32 $0xF;
	v15 =	vor.u32 v29, v33;
	v6 =	vadd.f32 v21, v6;
	v21 =	vld.idx.msk [tilespmem:v49+s2+$0x0], $0xffff  }
0x9b: {  	v20 =	vperm.xlane v20, v46;
	v0 =	vadd.f32 v13, v0;
	v43 =	vor.u32 v3, v33;
	v58 =	vld.idx.msk [tilespmem:v19+s2+$0x0], $0xffff  }
0x9c: {  	v52 =	vor.u32 v5, v47;
	v17 =	vor.u32 v4, v33;
	v2 =	vadd.f32 v18, v2;
	v13 =	vld.idx.msk [tilespmem:v28+s2+$0x0], $0xffff  }
0x9d: {  	v20 =	vshll.u32 v20, $0x6;
	v0 =	vadd.f32 v35, v0;
	v1 =	vadd.f32 v30, v1;
	v61 =	vld.idx.msk [tilespmem:v51+s2+$0x0], $0xffff  }
0x9e: {  	v18 =	vor.u32 v5, v33;
	v6 =	vadd.f32 v22, v6;
	v12 =	vld.idx.msk [tilespmem:v12+s2+$0x0], $0xffff;
	v2 =	vadd.f32 v25, v2  }
0x9f: {  	v0 =	vadd.f32 v53, v0;
	v53 =	vor.u32 v3, v20;
	v1 =	vadd.f32 v23, v1;
	v15 =	vld.idx.msk [tilespmem:v15+s2+$0x0], $0xffff  }
0xa0: {  	v28 =	vor.u32 v29, v20;
	v50 =	vld.idx.msk [tilespmem:v43+s2+$0x0], $0xffff;
	v6 =	vadd.f32 v31, v6;
	v2 =	vadd.f32 v27, v2  }
0xa1: {  	v19 =	vor.u32 v4, v20;
	v17 =	vld.idx.msk [tilespmem:v17+s2+$0x0], $0xffff;
	v0 =	vadd.f32 v39, v0;
	v1 =	vadd.f32 v7, v1  }
0xa2: {  	v7 =	vld.idx.msk [tilespmem:v52+s2+$0x0], $0xffff;
	v6 =	vadd.f32 v62, v6;
	v2 =	vadd.f32 v16, v2;
	v16 =	vor.u32 v5, v20  }
0xa3: {  	v0 =	vadd.f32 v45, v0;
	v18 =	vld.idx.msk [tilespmem:v18+s2+$0x0], $0xffff  }
0xa4: {  	v63 =	vld.idx.msk [tilespmem:v53+s2+$0x0], $0xffff;
	v6 =	vadd.f32 v40, v6;
	v2 =	vadd.f32 v14, v2  }
0xa5: {  	v62 =	vld.idx.msk [tilespmem:v28+s2+$0x0], $0xffff;
	v1 =	vadd.f32 v12, v1;
	v0 =	vadd.f32 v50, v0  }
0xa6: {  	v12 =	vld.idx.msk [tilespmem:v19+s2+$0x0], $0xffff;
	v6 =	vadd.f32 v15, v6;
	v2 =	vadd.f32 v13, v2  }
0xa7: {  	v1 =	vadd.f32 v17, v1;
	v0 =	vadd.f32 v58, v0;
	v13 =	vld.idx.msk [tilespmem:v16+s2+$0x0], $0xffff  }
0xa8: {  	v6 =	vadd.f32 v21, v6;
	v2 =	vadd.f32 v18, v2  }
0xa9: {  	p0 =	sne.s32 s16, $0xFF80;
	v1 =	vadd.f32 v61, v1;
	v0 =	vadd.f32 v63, v0  }
.Ltmp0:
0xaa: {  	v6 =	vadd.f32 v62, v6;
	v2 =	vadd.f32 v7, v2;
	(pc) =	sbr.rel @p0 .LBB2_2-.Ltmp0, $4  }
0xab: {  	v1 =	vadd.f32 v12, v1;
	[tilespmem:s15+$0xFFFFFFF0] =	vst v0  }
0xac: {  	[tilespmem:s15+$0xFFFFFFE0] =	vst v6;
	v2 =	vadd.f32 v13, v2  }
0xad: {  	v14 =	vimm.s32 $0xB;
	v15 =	vimm.s32 $0xC;
	[tilespmem:s15+$0x0] =	vst v1  }
0xae: {  	s16 =	sadd.s32 $0x80, s16;
	v16 =	vimm.s32 $0xD;
	v18 =	vimm.s32 $0xE;
	v1 =	vimm.s32 $0xA;
	[tilespmem:s15+$0x10] =	vst v2;
	s15 =	sadd.s32 $0x40, s15  }
0xaf: {  	s14 =	sadd.s32 $0x1, s14  }
0xb0: {  	p0 =	sne.s32 s14, s7  }
.Ltmp1:
0xb1: {  	_ = 	snop;
	(pc) =	sbr.rel @p0 .LBB2_1-.Ltmp1, $4  }
0xb2: {  	[hbm4b:s6+s2] =	stream.linear.scatter [tilespmem:s12], [sflag:$0x3], $0x8000, $0x38;
	[tilespmem:$0x1C080] =	vst v63  }
0xb3: {  	_ =	swait.ge [sflag:s13], $0x8000  }
0xb4: {  	[sflag:s13] =	ssyncset.done $0x0  }
0xb5: {  	[sflag:s13] =	ssyncadd.s32 $0xFFFF8000  }
0xb6: {  	_ =	sfence.sel $0x180000  }
0xb7: {  	[bflag:$0x0] =	sbarrier.arrive $0xFFFF  }
0xb8: {  	p0 =	sne.s32 s1, $0x0;
	_ =	strace $0x90000047  }
0xb9: {  	s0 =	sadd.s32 @!p0 $0x100000, s0;
	[bflag:$0x2] =	sbarrier.arrive $0xFFFF  }
0xba: {  	[sflag:s0] =	ssyncadd.tile.s32 @!p0 $0x1;
	_ =	shalt  }
.Lfunc_end2:
_tile_overlayer_lowered:
.L_overlay_start_2:
0xbb: {  	(tag) =	ssettag $0x2  }
0xbc: {  	s0 =	rddreg [dreg:$0x0];
	s2 =	stileid.u32  }
0xbd: {  	s1 =	rddreg [dreg:$0x1];
	p0 =	sne.s32 s2, $0x0  }
0xbe: {  	s3 =	rddreg [dreg:$0x2];
	[bflag:$0x3] =	sbarrier.arrive $0xFFFF;
	s2 =	simm.s32 @!p0 $0x1C03  }
0xbf: {  	[timem:s3], [sflag:s2] =	dma.local @!p0 [hbm:s0], s1  }
0xc0: {  	s0 =	simm.s32 @!p0 $0x3  }
0xc1: {  	_ =	swait.ge @!p0 [sflag:s0], s1  }
0xc2: {  	s1 =	ssub.s32 @!p0 $0x0, s1;
	[sflag:s0] =	ssyncset.done @!p0 $0x0  }
0xc3: {  	[sflag:s0] =	ssyncadd.s32 @!p0 s1  }
0xc4: {  	[bflag:$0x3] =	sbarrier.arrive $0xFFFF  }
0xc5: {  	_ =	shalt  }

</sc_bundles>
